<compile_context>
chip_gen: v7x
topology: tpu7x:2x2x1
jax: 0.10.2.dev20260603
libtpu: 0.0.44.dev20260713+nightly
codegen_flags: <defaults>
</compile_context>

<pallas_src>
import functools

import jax
import jax.numpy as jnp
import numpy as np
from jax import lax
from jax.experimental import pallas as pl
from jax.experimental.pallas import tpu as pltpu
from jax.experimental.pallas import tpu_sc as plsc

N = 10000
E = 320000
HID = 128
D = 4
K = 4
NUM_KS = 30
CHUNK = HID // D
SEG_SIZES = (2, 4, 8, 16)

_BLK = 1000
_HIGH = lax.Precision.HIGHEST

_NW = 32
_EPW = E // _NW
_CH = 80
_CPW = _EPW // _CH
_NPAD = 10240
_RPS = _NPAD // 16

_sc_mesh = plsc.VectorSubcoreMesh(core_axis_name="c", subcore_axis_name="s")


def _seg_of(i):
    return 0 if i < 2 else 1 if i < 6 else 2 if i < 14 else 3


_MSUM = np.zeros((D * NUM_KS, HID), np.float32)
_MFC = np.zeros((K, HID), np.float32)
for _j in range(D * NUM_KS):
    _MSUM[_j, 4 * (_j // NUM_KS) + _seg_of(_j % NUM_KS)] = 1.0
for _c in range(D):
    for _k in range(K):
        _MFC[_k, 4 * _c + _k] = 1.0
_MEXP = _MSUM.T.copy()
_PAD1 = np.zeros((1, HID), np.float32)
_PAD1[0, 4 * D:] = 1.0


def _deg_body(dst_hbm, out_hbm, dstv, degl):
    c = lax.axis_index("c")
    s = lax.axis_index("s")
    wid = s * 2 + c
    pltpu.sync_copy(dst_hbm.at[pl.ds(wid * _EPW, _EPW)], dstv)

    def zero(i, _):
        degl[pl.ds(i * 16, 16)] = jnp.zeros((16,), jnp.float32)
        return 0
    lax.fori_loop(0, N // 16, zero, 0)

    ones = jnp.ones((16,), jnp.float32)

    def hist(i, _):
        idx = dstv[pl.ds(i * 16, 16)]
        plsc.addupdate_scatter(degl, [idx], ones)
        return 0
    lax.fori_loop(0, _EPW // 16, hist, 0)

    def put(i, _):
        pltpu.sync_copy(degl.at[pl.ds(i * _BLK, _BLK)],
                        out_hbm.at[pl.ds(i * _NW * _BLK + wid * _BLK, _BLK)])
        return 0
    lax.fori_loop(0, N // _BLK, put, 0)


_sc_params = pltpu.CompilerParams(needs_layout_passes=False)

_sc_degree = pl.kernel(
    _deg_body, mesh=_sc_mesh,
    out_type=jax.ShapeDtypeStruct((_NW * N,), jnp.float32),
    scratch_types=[pltpu.VMEM((_EPW,), jnp.int32),
                   pltpu.VMEM((N,), jnp.float32)],
    compiler_params=_sc_params,
)


def _scat_body(hs_hbm, src_hbm, dst_hbm, out_hbm, srcv, dstv, rows0, rows1,
               acc_sh, gsem0, gsem1, ssem0, ssem1):
    c = lax.axis_index("c")
    s = lax.axis_index("s")
    wid = s * 2 + c
    pltpu.sync_copy(src_hbm.at[pl.ds(wid * _EPW, _EPW)], srcv)
    pltpu.sync_copy(dst_hbm.at[wid], dstv)

    def zrow(i, _):
        rows0[i // 8, pl.ds((i % 8) * 16, 16)] = jnp.zeros((16,), jnp.float32)
        return 0
    lax.fori_loop(0, _CH * 8, zrow, 0)

    def zacc(i, _):
        pltpu.sync_copy(rows0, acc_sh.at[pl.ds(s * _RPS + i * _CH, _CH)])
        return 0
    lax.fori_loop(0, _RPS // _CH, zacc, 0)
    plsc.subcore_barrier()

    rows = (rows0, rows1)
    gsem = (gsem0, gsem1)
    ssem = (ssem0, ssem1)

    def start_gather(j, b):
        pltpu.async_copy(hs_hbm.at[srcv.at[pl.ds(j * _CH, _CH)]], rows[b],
                         gsem[b])

    def wait_gather(b):
        pltpu.make_async_copy(hs_hbm.at[srcv.at[pl.ds(0, _CH)]], rows[b],
                              gsem[b]).wait()

    def start_scatter(j, b):
        pltpu.async_copy(rows[b], acc_sh.at[dstv.at[j]], ssem[b], add=True)

    def wait_scatter(b):
        pltpu.make_async_copy(rows[b], acc_sh.at[dstv.at[0]], ssem[b]).wait()

    start_gather(0, 0)
    start_gather(1, 1)
    wait_gather(0)
    start_scatter(0, 0)

    def pair(t, _):
        j = 2 * t + 1
        wait_gather(1)
        start_scatter(j, 1)
        wait_scatter(0)
        start_gather(j + 1, 0)
        wait_gather(0)
        start_scatter(j + 1, 0)
        wait_scatter(1)

        @pl.when(j + 2 < _CPW)
        def _():
            start_gather(j + 2, 1)
        return 0
    lax.fori_loop(0, (_CPW - 1) // 2, pair, 0)
    wait_scatter(0)
    plsc.subcore_barrier()
    pltpu.sync_copy(acc_sh.at[pl.ds(s * _RPS, _RPS)],
                    out_hbm.at[c, pl.ds(s * _RPS, _RPS)])


_sc_scatter = pl.kernel(
    _scat_body, mesh=_sc_mesh,
    out_type=jax.ShapeDtypeStruct((2, _NPAD, HID), jnp.float32),
    scratch_types=[pltpu.VMEM((_EPW,), jnp.int32),
                   pltpu.VMEM((_CPW, _CH), jnp.int32),
                   pltpu.VMEM((_CH, HID), jnp.float32),
                   pltpu.VMEM((_CH, HID), jnp.float32),
                   pltpu.VMEM_SHARED((_NPAD, HID), jnp.float32),
                   pltpu.SemaphoreType.DMA, pltpu.SemaphoreType.DMA,
                   pltpu.SemaphoreType.DMA, pltpu.SemaphoreType.DMA],
    compiler_params=_sc_params,
)


def _dot(a, b):
    return lax.dot(a, b, precision=_HIGH, preferred_element_type=jnp.float32)


def _quantize_block(h, c1, c2, fc, msum, mexp, mfc, pad1):
    e = jnp.exp(_dot(h, c1))
    ssum = _dot(e, msum) + pad1
    fcrow = _dot(fc / jnp.sum(fc), mfc)
    r = fcrow / ssum
    scale = _dot(r, mexp)
    return _dot(e * scale, c2)


def _mm_kernel(x_ref, w_ref, h_ref):
    h_ref[...] = _dot(x_ref[...], w_ref[...])


def _scale_kernel(h_ref, degp_ref, hs_ref, dinv_ref):
    parts = degp_ref[...].reshape(_NW, _BLK)
    ones = jnp.ones((_NW, 1), jnp.float32)
    deg = lax.dot_general(parts, ones, (((0,), (0,)), ((), ())),
                          precision=_HIGH, preferred_element_type=jnp.float32)
    dinv = lax.rsqrt(deg + 1.0)
    dinv_ref[...] = dinv
    hs_ref[...] = h_ref[...] * dinv


def _mid_stage_kernel(acca_ref, accb_ref, hs_ref, dinv_ref, b_ref, w_ref,
                      c1_ref, c2_ref, fc_ref, msum_ref, mexp_ref, mfc_ref,
                      pad1_ref, out_ref):
    dinv = dinv_ref[...]
    h = dinv * (acca_ref[0] + accb_ref[0] + hs_ref[...]) + b_ref[...]
    h = jnp.maximum(h, 0.0)
    q = _quantize_block(h, c1_ref[...], c2_ref[...], fc_ref[...],
                        msum_ref[...], mexp_ref[...], mfc_ref[...],
                        pad1_ref[...])
    out_ref[...] = _dot(q, w_ref[...]) * dinv


def _final_stage_kernel(acca_ref, accb_ref, hs_ref, dinv_ref, b_ref, out_ref):
    out_ref[...] = dinv_ref[...] * (acca_ref[0] + accb_ref[0]
                                    + hs_ref[...]) + b_ref[...]


def _row_spec(cols):
    return pl.BlockSpec((_BLK, cols), lambda i: (i, 0))


def _acc_spec(part):
    return pl.BlockSpec((1, _BLK, HID), lambda i, p=part: (p, i, 0))


def _full_spec(r, c):
    return pl.BlockSpec((r, c), lambda i: (0, 0))


def _mm_stage(x, w0):
    return pl.pallas_call(
        _mm_kernel,
        grid=(N // _BLK,),
        in_specs=[_row_spec(HID), _full_spec(HID, HID)],
        out_specs=_row_spec(HID),
        out_shape=jax.ShapeDtypeStruct((N, HID), jnp.float32),
    )(x, w0)


def _scale_stage(h, deg_parts3):
    return pl.pallas_call(
        _scale_kernel,
        grid=(N // _BLK,),
        in_specs=[_row_spec(HID),
                  pl.BlockSpec((1, _NW, _BLK), lambda i: (i, 0, 0))],
        out_specs=[_row_spec(HID), _row_spec(1)],
        out_shape=[jax.ShapeDtypeStruct((N, HID), jnp.float32),
                   jax.ShapeDtypeStruct((N, 1), jnp.float32)],
    )(h, deg_parts3)


def _mid_stage(acc, hs, dinv, b, w, c1, c2, fc, msum, mexp, mfc, pad1):
    return pl.pallas_call(
        _mid_stage_kernel,
        grid=(N // _BLK,),
        in_specs=[_acc_spec(0), _acc_spec(1), _row_spec(HID), _row_spec(1),
                  _full_spec(1, HID), _full_spec(HID, HID),
                  _full_spec(HID, D * NUM_KS), _full_spec(D * NUM_KS, HID),
                  _full_spec(1, K), _full_spec(D * NUM_KS, HID),
                  _full_spec(HID, D * NUM_KS), _full_spec(K, HID),
                  _full_spec(1, HID)],
        out_specs=_row_spec(HID),
        out_shape=jax.ShapeDtypeStruct((N, HID), jnp.float32),
    )(acc, acc, hs, dinv, b, w, c1, c2, fc, msum, mexp, mfc, pad1)


def _final_stage(acc, hs, dinv, b):
    return pl.pallas_call(
        _final_stage_kernel,
        grid=(N // _BLK,),
        in_specs=[_acc_spec(0), _acc_spec(1), _row_spec(HID), _row_spec(1),
                  _full_spec(1, HID)],
        out_specs=_row_spec(HID),
        out_shape=jax.ShapeDtypeStruct((N, HID), jnp.float32),
    )(acc, acc, hs, dinv, b)


def kernel(x, edge_index, W0, b0, W1, b1, W2, b2, centroids, fc_w):
    src, dst = edge_index[0], edge_index[1]

    cent_chunks = centroids.reshape(NUM_KS, D, CHUNK).transpose(1, 0, 2)
    c2 = jnp.concatenate(
        [jnp.pad(cent_chunks[c], ((0, 0), (c * CHUNK, HID - (c + 1) * CHUNK)))
         for c in range(D)], axis=0)
    c1 = c2.T
    b0r = b0.reshape(1, HID)
    b1r = b1.reshape(1, HID)
    b2r = b2.reshape(1, HID)

    dst2 = dst.reshape(_NW, _CPW, _CH)

    msum = jnp.asarray(_MSUM)
    mexp = jnp.asarray(_MEXP)
    mfc = jnp.asarray(_MFC)
    pad1 = jnp.asarray(_PAD1)

    deg_parts3 = _sc_degree(dst).reshape(N // _BLK, _NW, _BLK)
    h0 = _mm_stage(x, W0)
    hs, dinv = _scale_stage(h0, deg_parts3)
    acc = _sc_scatter(hs, src, dst2)
    hs = _mid_stage(acc, hs, dinv, b0r, W1, c1, c2, fc_w, msum, mexp, mfc, pad1)
    acc = _sc_scatter(hs, src, dst2)
    hs = _mid_stage(acc, hs, dinv, b1r, W2, c1, c2, fc_w, msum, mexp, mfc, pad1)
    acc = _sc_scatter(hs, src, dst2)
    return _final_stage(acc, hs, dinv, b2r)

# --- scband reference (transcript-rebuilt; emitter-appended) ---
"""Pipeline reference for scband-gcn-30348238913691 (READ-ONLY COPY).

The authoritative reference and input builder live on the scoring server;
editing this copy changes nothing except your own understanding.
"""

import jax, jax.numpy as jnp
import numpy as np

N = 10000
E = 320000
HID = 128
IN_DIM = 128
OUT_DIM = 128
D = 4
K = 4
K1 = 2
NUM_KS = K1 * ((1 << K) - 1)
K_INDS = jnp.asarray(np.concatenate([np.full((K1 << j,), j, dtype=np.int32) for j in range(K)]))


def setup_inputs(seed: int = 0):
    key = jax.random.key(seed)
    ks = jax.random.split(key, 10)
    x = jax.random.normal(ks[0], (N, IN_DIM), dtype=jnp.float32)
    edge_index = jax.random.randint(ks[1], (2, E), 0, N, dtype=jnp.int32)

    def lin(k, fi, fo):
        return jax.random.normal(k, (fi, fo), dtype=jnp.float32) / np.sqrt(fi)

    W0 = lin(ks[2], IN_DIM, HID); b0 = jnp.zeros((HID,), jnp.float32)
    W1 = lin(ks[3], HID, HID); b1 = jnp.zeros((HID,), jnp.float32)
    W2 = lin(ks[4], HID, OUT_DIM); b2 = jnp.zeros((OUT_DIM,), jnp.float32)
    centroids = jax.random.normal(ks[5], (NUM_KS, HID), dtype=jnp.float32) * np.sqrt(2.0 / HID)
    fc_w = jax.random.uniform(ks[6], (1, K), jnp.float32, 0.25, 1.0)
    return {"x": x, "edge_index": edge_index, "W0": W0, "b0": b0, "W1": W1, "b1": b1, "W2": W2, "b2": b2, "centroids": centroids, "fc_w": fc_w}


def _gcn_conv(x, src, dst, W, b):
    n = x.shape[0]
    loops = jnp.arange(n, dtype=src.dtype)
    s = jnp.concatenate([src, loops])
    d = jnp.concatenate([dst, loops])
    deg = jnp.zeros((n,), jnp.float32).at[d].add(1.0)
    dinv = jax.lax.rsqrt(deg)
    norm = dinv[s] * dinv[d]
    h = x @ W
    out = jnp.zeros((n, W.shape[1]), jnp.float32).at[d].add(h[s] * norm[:, None])
    return out + b


def _quantize(H, centroids, fc_w, tau=1.0):
    n = H.shape[0]
    prods = (H[:, None, :] * centroids[None, :, :]).reshape(n, NUM_KS, D, -1).sum(-1)
    logits = (prods / tau).transpose(1, 0, 2)
    smax = jax.ops.segment_max(logits, K_INDS, num_segments=K)
    ex = jnp.exp(logits - smax[K_INDS])
    ssum = jax.ops.segment_sum(ex, K_INDS, num_segments=K)
    probs = (ex / ssum[K_INDS]).transpose(1, 0, 2)
    normalized = probs[..., None] * centroids.reshape(1, NUM_KS, D, -1)
    ws = jax.ops.segment_sum(normalized.transpose(1, 0, 2, 3), K_INDS, num_segments=K).transpose(1, 0, 2, 3)
    qf = ws.reshape(n, K, HID)
    out = jnp.einsum('nkh,k->nh', qf, fc_w[0])
    return out / jax.lax.stop_gradient(jnp.sum(fc_w))


def reference(x, edge_index, W0, b0, W1, b1, W2, b2, centroids, fc_w):
    src, dst = edge_index[0], edge_index[1]
    h = _gcn_conv(x, src, dst, W0, b0)
    h = jax.nn.relu(h)
    h = _quantize(h, centroids, fc_w)
    h = _gcn_conv(h, src, dst, W1, b1)
    h = jax.nn.relu(h)
    h = _quantize(h, centroids, fc_w)
    out = _gcn_conv(h, src, dst, W2, b2)
    return out

if __name__ == "__main__":
    import jax
    _d = setup_inputs()
    print(jax.jit(kernel)(*tuple(_d.values())))

</pallas_src>

<mosaic_0001>
#map = affine_map<(d0, d1) -> (0, 0)>
#map1 = affine_map<(d0, d1) -> (0)>
#map2 = affine_map<(d0, d1) -> (0, 0, 0)>
module attributes {stable_mosaic.version = 14 : i64} {
  func.func @_scat_body(%arg0: i32, %arg1: i32, %arg2: memref<10000x128xf32, #tpu.memory_space<hbm>>, %arg3: memref<320000xi32, #tpu.memory_space<hbm>>, %arg4: memref<32x125x80xi32, #tpu.memory_space<hbm>>, %arg5: memref<2x10240x128xf32, #tpu.memory_space<hbm>>, %arg6: memref<10000xi32, #tpu.memory_space<vmem>>, %arg7: memref<125x80xi32, #tpu.memory_space<vmem>>, %arg8: memref<80x128xf32, #tpu.memory_space<vmem>>, %arg9: memref<80x128xf32, #tpu.memory_space<vmem>>, %arg10: memref<10240x128xf32, #tpu.memory_space<vmem_shared>>, %arg11: memref<!tpu.dma_semaphore, #tpu.memory_space<semaphore_mem>>, %arg12: memref<!tpu.dma_semaphore, #tpu.memory_space<semaphore_mem>>, %arg13: memref<!tpu.dma_semaphore, #tpu.memory_space<semaphore_mem>>, %arg14: memref<!tpu.dma_semaphore, #tpu.memory_space<semaphore_mem>>) attributes {dimension_semantics = [#tpu.dimension_semantics<core_parallel>, #tpu.dimension_semantics<subcore_parallel>], iteration_bounds = array<i64: 2, 16>, scalar_prefetch = 0 : i64, scratch_operands = 9 : i64, tpu.core_type = #tpu.core_type<sc_vector_subcore>, window_params = [{transform_indices = #map}, {transform_indices = #map1}, {transform_indices = #map2}, {transform_indices = #map2}]} {
    %mul3A = arith.constant 2 : i32
    %mul3A_0 = arith.muli %arg1, %mul3A : i32
    %add3A = arith.addi %mul3A_0, %arg0 : i32
    %mul3A_1 = arith.constant 10000 : i32
    %mul3A_2 = arith.muli %add3A, %mul3A_1 : i32
    "tpu.region"() ({
      %run_scoped3A = tpu.sem_alloc : memref<!tpu.dma_semaphore, #tpu.memory_space<semaphore_mem>>
      %dma_start3A_55 = tpu.memref_slice %arg3[%mul3A_2] : memref<320000xi32, #tpu.memory_space<hbm>> -> memref<10000xi32, #tpu.memory_space<hbm>>
      %dma_start3A_56 = tpu.memref_slice %arg3[%mul3A_2] : memref<320000xi32, #tpu.memory_space<hbm>> -> memref<10000xi32, #tpu.memory_space<hbm>>
      tpu.enqueue_dma source(%dma_start3A_56 : memref<10000xi32, #tpu.memory_space<hbm>>) target(%arg6 : memref<10000xi32, #tpu.memory_space<vmem>>) target_semaphore(%run_scoped3A : memref<!tpu.dma_semaphore, #tpu.memory_space<semaphore_mem>>)
      %dma_wait3A_57 = tpu.memref_slice %arg3[%mul3A_2] : memref<320000xi32, #tpu.memory_space<hbm>> -> memref<10000xi32, #tpu.memory_space<hbm>>
      %dma_wait3A_58 = tpu.memref_slice %arg3[%mul3A_2] : memref<320000xi32, #tpu.memory_space<hbm>> -> memref<10000xi32, #tpu.memory_space<hbm>>
      tpu.wait_dma2 semaphore(%run_scoped3A : memref<!tpu.dma_semaphore, #tpu.memory_space<semaphore_mem>>) src(%dma_wait3A_58 : memref<10000xi32, #tpu.memory_space<hbm>>) dst(%arg6 : memref<10000xi32, #tpu.memory_space<vmem>>)
      tpu.yield
    }) : () -> ()
    "tpu.region"() ({
      %run_scoped3A = tpu.sem_alloc : memref<!tpu.dma_semaphore, #tpu.memory_space<semaphore_mem>>
      %dma_start3A_55 = arith.constant 0 : i32
      %dma_start3A_56 = arith.constant 0 : i32
      %dma_start3A_57 = tpu.memref_slice %arg4[%add3A, %dma_start3A_55, %dma_start3A_56] : memref<32x125x80xi32, #tpu.memory_space<hbm>> -> memref<1x125x80xi32, #tpu.memory_space<hbm>>
      %dma_start3A_58 = tpu.memref_squeeze %dma_start3A_57 : memref<1x125x80xi32, #tpu.memory_space<hbm>> -> memref<125x80xi32, #tpu.memory_space<hbm>>
      %dma_start3A_59 = arith.constant 0 : i32
      %dma_start3A_60 = arith.constant 0 : i32
      %dma_start3A_61 = tpu.memref_slice %arg4[%add3A, %dma_start3A_59, %dma_start3A_60] : memref<32x125x80xi32, #tpu.memory_space<hbm>> -> memref<1x125x80xi32, #tpu.memory_space<hbm>>
      %dma_start3A_62 = tpu.memref_squeeze %dma_start3A_61 : memref<1x125x80xi32, #tpu.memory_space<hbm>> -> memref<125x80xi32, #tpu.memory_space<hbm>>
      tpu.enqueue_dma source(%dma_start3A_62 : memref<125x80xi32, #tpu.memory_space<hbm>>) target(%arg7 : memref<125x80xi32, #tpu.memory_space<vmem>>) target_semaphore(%run_scoped3A : memref<!tpu.dma_semaphore, #tpu.memory_space<semaphore_mem>>)
      %dma_wait3A_63 = arith.constant 0 : i32
      %dma_wait3A_64 = arith.constant 0 : i32
      %dma_wait3A_65 = tpu.memref_slice %arg4[%add3A, %dma_wait3A_63, %dma_wait3A_64] : memref<32x125x80xi32, #tpu.memory_space<hbm>> -> memref<1x125x80xi32, #tpu.memory_space<hbm>>
      %dma_wait3A_66 = tpu.memref_squeeze %dma_wait3A_65 : memref<1x125x80xi32, #tpu.memory_space<hbm>> -> memref<125x80xi32, #tpu.memory_space<hbm>>
      %dma_wait3A_67 = arith.constant 0 : i32
      %dma_wait3A_68 = arith.constant 0 : i32
      %dma_wait3A_69 = tpu.memref_slice %arg4[%add3A, %dma_wait3A_67, %dma_wait3A_68] : memref<32x125x80xi32, #tpu.memory_space<hbm>> -> memref<1x125x80xi32, #tpu.memory_space<hbm>>
      %dma_wait3A_70 = tpu.memref_squeeze %dma_wait3A_69 : memref<1x125x80xi32, #tpu.memory_space<hbm>> -> memref<125x80xi32, #tpu.memory_space<hbm>>
      tpu.wait_dma2 semaphore(%run_scoped3A : memref<!tpu.dma_semaphore, #tpu.memory_space<semaphore_mem>>) src(%dma_wait3A_70 : memref<125x80xi32, #tpu.memory_space<hbm>>) dst(%arg7 : memref<125x80xi32, #tpu.memory_space<vmem>>)
      tpu.yield
    }) : () -> ()
    %scan3A = arith.constant 0 : i32
    %scan3A_3 = arith.constant 0 : i32
    %scan3A_4 = arith.constant 640 : i32
    %scan3A_5 = arith.addi %scan3A_3, %scan3A_4 : i32
    %scan3A_6 = arith.constant 1 : i32
    %scan3A_7 = scf.for %scan3A_55 = %scan3A_3 to %scan3A_5 step %scan3A_6 iter_args(%scan3A_56 = %scan3A) -> (i32)  : i32 {
      %broadcast_in_dim3A = arith.constant 0.000000e+00 : f32
      %broadcast_in_dim3A_57 = vector.broadcast %broadcast_in_dim3A : f32 to vector<16xf32>
      %jit3A = arith.constant 8 : i32
      %div3A = arith.divsi %scan3A_55, %jit3A : i32
      %sign3A = arith.constant 0 : i32
      %sign3A_58 = arith.cmpi sgt, %scan3A_55, %sign3A : i32
      %sign3A_59 = arith.extui %sign3A_58 : i1 to i32
      %sign3A_60 = arith.constant 0 : i32
      %sign3A_61 = arith.cmpi slt, %scan3A_55, %sign3A_60 : i32
      %sign3A_62 = arith.extui %sign3A_61 : i1 to i32
      %sign3A_63 = arith.subi %sign3A_59, %sign3A_62 : i32
      %sign3A_64 = arith.constant 0 : i32
      %sign3A_65 = arith.cmpi sgt, %jit3A, %sign3A_64 : i32
      %sign3A_66 = arith.extui %sign3A_65 : i1 to i32
      %sign3A_67 = arith.constant 0 : i32
      %sign3A_68 = arith.cmpi slt, %jit3A, %sign3A_67 : i32
      %sign3A_69 = arith.extui %sign3A_68 : i1 to i32
      %sign3A_70 = arith.subi %sign3A_66, %sign3A_69 : i32
      %ne3A = arith.cmpi ne, %sign3A_63, %sign3A_70 : i32
      %rem3A = arith.remsi %scan3A_55, %jit3A : i32
      %ne3A_71 = arith.constant 0 : i32
      %ne3A_72 = arith.cmpi ne, %rem3A, %ne3A_71 : i32
      %and3A = arith.andi %ne3A, %ne3A_72 : i1
      %sub3A = arith.constant 1 : i32
      %sub3A_73 = arith.subi %div3A, %sub3A : i32
      %select_n3A = arith.select %and3A, %sub3A_73, %div3A : i32
      %jit3A_74 = arith.constant 8 : i32
      %eq3A = arith.constant 0 : i32
      %eq3A_75 = arith.cmpi eq, %jit3A_74, %eq3A : i32
      %jit3A_76 = arith.constant 1 : i32
      %select_n3A_77 = arith.select %eq3A_75, %jit3A_76, %jit3A_74 : i32
      %rem3A_78 = arith.remsi %scan3A_55, %select_n3A_77 : i32
      %ne3A_79 = arith.constant 0 : i32
      %ne3A_80 = arith.cmpi ne, %rem3A_78, %ne3A_79 : i32
      %lt3A = arith.constant 0 : i32
      %lt3A_81 = arith.cmpi slt, %rem3A_78, %lt3A : i32
      %lt3A_82 = arith.constant 0 : i32
      %lt3A_83 = arith.cmpi slt, %select_n3A_77, %lt3A_82 : i32
      %ne3A_84 = arith.xori %lt3A_81, %lt3A_83 : i1
      %and3A_85 = arith.andi %ne3A_84, %ne3A_80 : i1
      %add3A_86 = arith.addi %rem3A_78, %select_n3A_77 : i32
      %select_n3A_87 = arith.select %and3A_85, %add3A_86, %rem3A_78 : i32
      %mul3A_88 = arith.constant 16 : i32
      %mul3A_89 = arith.muli %select_n3A_87, %mul3A_88 : i32
      %swap3A = arith.index_cast %select_n3A : i32 to index
      %swap3A_90 = arith.index_cast %mul3A_89 : i32 to index
      %swap3A_91 = tpu.vector_load %arg8[%swap3A, %swap3A_90] {strides = array<i32>} : memref<80x128xf32, #tpu.memory_space<vmem>>, vector<16xf32>,
      tpu.vector_store %arg8[%swap3A, %swap3A_90], %broadcast_in_dim3A_57 {strides = array<i32>} : memref<80x128xf32, #tpu.memory_space<vmem>>, vector<16xf32>,
      %scan3A_92 = arith.constant 0 : i32
      scf.yield %scan3A_92 : i32
    }
    %scan3A_8 = arith.constant 640 : i32
    %scan3A_9 = arith.constant 0 : i32
    %scan3A_10 = arith.constant 0 : i32
    %scan3A_11 = arith.constant 8 : i32
    %scan3A_12 = arith.addi %scan3A_10, %scan3A_11 : i32
    %scan3A_13 = arith.constant 1 : i32
    %scan3A_14 = scf.for %scan3A_55 = %scan3A_10 to %scan3A_12 step %scan3A_13 iter_args(%scan3A_56 = %scan3A_9) -> (i32)  : i32 {
      %mul3A_57 = arith.constant 640 : i32
      %mul3A_58 = arith.muli %arg1, %mul3A_57 : i32
      %mul3A_59 = arith.constant 80 : i32
      %mul3A_60 = arith.muli %scan3A_55, %mul3A_59 : i32
      %add3A_61 = arith.addi %mul3A_58, %mul3A_60 : i32
      "tpu.region"() ({
        %run_scoped3A = tpu.sem_alloc : memref<!tpu.dma_semaphore, #tpu.memory_space<semaphore_mem>>
        %dma_start3A_63 = arith.constant 0 : i32
        %dma_start3A_64 = tpu.memref_slice %arg10[%add3A_61, %dma_start3A_63] : memref<10240x128xf32, #tpu.memory_space<vmem_shared>> -> memref<80x128xf32, #tpu.memory_space<vmem_shared>>
        %dma_start3A_65 = arith.constant 0 : i32
        %dma_start3A_66 = tpu.memref_slice %arg10[%add3A_61, %dma_start3A_65] : memref<10240x128xf32, #tpu.memory_space<vmem_shared>> -> memref<80x128xf32, #tpu.memory_space<vmem_shared>>
        tpu.enqueue_dma source(%arg8 : memref<80x128xf32, #tpu.memory_space<vmem>>) target(%dma_start3A_66 : memref<80x128xf32, #tpu.memory_space<vmem_shared>>) target_semaphore(%run_scoped3A : memref<!tpu.dma_semaphore, #tpu.memory_space<semaphore_mem>>)
        %dma_wait3A_67 = arith.constant 0 : i32
        %dma_wait3A_68 = tpu.memref_slice %arg10[%add3A_61, %dma_wait3A_67] : memref<10240x128xf32, #tpu.memory_space<vmem_shared>> -> memref<80x128xf32, #tpu.memory_space<vmem_shared>>
        %dma_wait3A_69 = arith.constant 0 : i32
        %dma_wait3A_70 = tpu.memref_slice %arg10[%add3A_61, %dma_wait3A_69] : memref<10240x128xf32, #tpu.memory_space<vmem_shared>> -> memref<80x128xf32, #tpu.memory_space<vmem_shared>>
        tpu.wait_dma2 semaphore(%run_scoped3A : memref<!tpu.dma_semaphore, #tpu.memory_space<semaphore_mem>>) src(%arg8 : memref<80x128xf32, #tpu.memory_space<vmem>>) dst(%dma_wait3A_70 : memref<80x128xf32, #tpu.memory_space<vmem_shared>>)
        tpu.yield
      }) : () -> ()
      %scan3A_62 = arith.constant 0 : i32
      scf.yield %scan3A_62 : i32
    }
    %scan3A_15 = arith.constant 8 : i32
    %barrier3A = arith.constant 0 : index
    tpu.barrier barrier_id(%barrier3A)
    %dma_start3A = arith.constant 0 : i32
    %dma_start3A_16 = tpu.memref_slice %arg6[%dma_start3A] : memref<10000xi32, #tpu.memory_space<vmem>> -> memref<80xi32, #tpu.memory_space<vmem>>
    %dma_start3A_17 = arith.constant 0 : i32
    %dma_start3A_18 = arith.constant 0 : i32
    %dma_start3A_19 = tpu.memref_slice %arg2[%dma_start3A_17, %dma_start3A_18] : memref<10000x128xf32, #tpu.memory_space<hbm>> -> memref<10000x128xf32, #tpu.memory_space<hbm>>
    tpu.enqueue_indirect_dma source(%dma_start3A_19 : memref<10000x128xf32, #tpu.memory_space<hbm>>) target(%arg8 : memref<80x128xf32, #tpu.memory_space<vmem>>) offsets(%dma_start3A_16 : memref<80xi32, #tpu.memory_space<vmem>>) semaphore(%arg11 : memref<!tpu.dma_semaphore, #tpu.memory_space<semaphore_mem>>)
    %dma_start3A_20 = arith.constant 80 : i32
    %dma_start3A_21 = tpu.memref_slice %arg6[%dma_start3A_20] : memref<10000xi32, #tpu.memory_space<vmem>> -> memref<80xi32, #tpu.memory_space<vmem>>
    %dma_start3A_22 = arith.constant 0 : i32
    %dma_start3A_23 = arith.constant 0 : i32
    %dma_start3A_24 = tpu.memref_slice %arg2[%dma_start3A_22, %dma_start3A_23] : memref<10000x128xf32, #tpu.memory_space<hbm>> -> memref<10000x128xf32, #tpu.memory_space<hbm>>
    tpu.enqueue_indirect_dma source(%dma_start3A_24 : memref<10000x128xf32, #tpu.memory_space<hbm>>) target(%arg9 : memref<80x128xf32, #tpu.memory_space<vmem>>) offsets(%dma_start3A_21 : memref<80xi32, #tpu.memory_space<vmem>>) semaphore(%arg12 : memref<!tpu.dma_semaphore, #tpu.memory_space<semaphore_mem>>)
    %dma_wait3A = arith.constant 0 : i32
    %dma_wait3A_25 = tpu.memref_slice %arg6[%dma_wait3A] : memref<10000xi32, #tpu.memory_space<vmem>> -> memref<80xi32, #tpu.memory_space<vmem>>
    %dma_wait3A_26 = arith.constant 0 : i32
    %dma_wait3A_27 = arith.constant 0 : i32
    %dma_wait3A_28 = tpu.memref_slice %arg2[%dma_wait3A_26, %dma_wait3A_27] : memref<10000x128xf32, #tpu.memory_space<hbm>> -> memref<10000x128xf32, #tpu.memory_space<hbm>>
    tpu.wait_indirect_dma semaphore(%arg11 : memref<!tpu.dma_semaphore, #tpu.memory_space<semaphore_mem>>) src(%dma_wait3A_28 : memref<10000x128xf32, #tpu.memory_space<hbm>>) dst(%arg8 : memref<80x128xf32, #tpu.memory_space<vmem>>)
    %dma_start3A_29 = arith.constant 0 : i32
    %dma_start3A_30 = arith.constant 0 : i32
    %dma_start3A_31 = tpu.memref_slice %arg7[%dma_start3A_29, %dma_start3A_30] : memref<125x80xi32, #tpu.memory_space<vmem>> -> memref<1x80xi32, #tpu.memory_space<vmem>>
    %dma_start3A_32 = tpu.memref_squeeze %dma_start3A_31 : memref<1x80xi32, #tpu.memory_space<vmem>> -> memref<80xi32, #tpu.memory_space<vmem>>
    %dma_start3A_33 = arith.constant 0 : i32
    %dma_start3A_34 = arith.constant 0 : i32
    %dma_start3A_35 = tpu.memref_slice %arg10[%dma_start3A_33, %dma_start3A_34] : memref<10240x128xf32, #tpu.memory_space<vmem_shared>> -> memref<10240x128xf32, #tpu.memory_space<vmem_shared>>
    tpu.enqueue_indirect_dma source(%arg8 : memref<80x128xf32, #tpu.memory_space<vmem>>) target(%dma_start3A_35 : memref<10240x128xf32, #tpu.memory_space<vmem_shared>>) offsets(%dma_start3A_32 : memref<80xi32, #tpu.memory_space<vmem>>) semaphore(%arg13 : memref<!tpu.dma_semaphore, #tpu.memory_space<semaphore_mem>>) {add = true}
    %scan3A_36 = arith.constant 0 : i32
    %scan3A_37 = arith.constant 0 : i32
    %scan3A_38 = arith.constant 62 : i32
    %scan3A_39 = arith.addi %scan3A_37, %scan3A_38 : i32
    %scan3A_40 = arith.constant 1 : i32
    %scan3A_41 = scf.for %scan3A_55 = %scan3A_37 to %scan3A_39 step %scan3A_40 iter_args(%scan3A_56 = %scan3A_36) -> (i32)  : i32 {
      %mul3A_57 = arith.constant 2 : i32
      %mul3A_58 = arith.muli %mul3A_57, %scan3A_55 : i32
      %add3A_59 = arith.constant 1 : i32
      %add3A_60 = arith.addi %mul3A_58, %add3A_59 : i32
      %dma_wait3A_61 = arith.constant 0 : i32
      %dma_wait3A_62 = tpu.memref_slice %arg6[%dma_wait3A_61] : memref<10000xi32, #tpu.memory_space<vmem>> -> memref<80xi32, #tpu.memory_space<vmem>>
      %dma_wait3A_63 = arith.constant 0 : i32
      %dma_wait3A_64 = arith.constant 0 : i32
      %dma_wait3A_65 = tpu.memref_slice %arg2[%dma_wait3A_63, %dma_wait3A_64] : memref<10000x128xf32, #tpu.memory_space<hbm>> -> memref<10000x128xf32, #tpu.memory_space<hbm>>
      tpu.wait_indirect_dma semaphore(%arg12 : memref<!tpu.dma_semaphore, #tpu.memory_space<semaphore_mem>>) src(%dma_wait3A_65 : memref<10000x128xf32, #tpu.memory_space<hbm>>) dst(%arg9 : memref<80x128xf32, #tpu.memory_space<vmem>>)
      %dma_start3A_66 = arith.constant 0 : i32
      %dma_start3A_67 = tpu.memref_slice %arg7[%add3A_60, %dma_start3A_66] : memref<125x80xi32, #tpu.memory_space<vmem>> -> memref<1x80xi32, #tpu.memory_space<vmem>>
      %dma_start3A_68 = tpu.memref_squeeze %dma_start3A_67 : memref<1x80xi32, #tpu.memory_space<vmem>> -> memref<80xi32, #tpu.memory_space<vmem>>
      %dma_start3A_69 = arith.constant 0 : i32
      %dma_start3A_70 = arith.constant 0 : i32
      %dma_start3A_71 = tpu.memref_slice %arg10[%dma_start3A_69, %dma_start3A_70] : memref<10240x128xf32, #tpu.memory_space<vmem_shared>> -> memref<10240x128xf32, #tpu.memory_space<vmem_shared>>
      tpu.enqueue_indirect_dma source(%arg9 : memref<80x128xf32, #tpu.memory_space<vmem>>) target(%dma_start3A_71 : memref<10240x128xf32, #tpu.memory_space<vmem_shared>>) offsets(%dma_start3A_68 : memref<80xi32, #tpu.memory_space<vmem>>) semaphore(%arg14 : memref<!tpu.dma_semaphore, #tpu.memory_space<semaphore_mem>>) {add = true}
      %dma_wait3A_72 = arith.constant 0 : i32
      %dma_wait3A_73 = arith.constant 0 : i32
      %dma_wait3A_74 = tpu.memref_slice %arg7[%dma_wait3A_72, %dma_wait3A_73] : memref<125x80xi32, #tpu.memory_space<vmem>> -> memref<1x80xi32, #tpu.memory_space<vmem>>
      %dma_wait3A_75 = tpu.memref_squeeze %dma_wait3A_74 : memref<1x80xi32, #tpu.memory_space<vmem>> -> memref<80xi32, #tpu.memory_space<vmem>>
      %dma_wait3A_76 = arith.constant 0 : i32
      %dma_wait3A_77 = arith.constant 0 : i32
      %dma_wait3A_78 = tpu.memref_slice %arg10[%dma_wait3A_76, %dma_wait3A_77] : memref<10240x128xf32, #tpu.memory_space<vmem_shared>> -> memref<10240x128xf32, #tpu.memory_space<vmem_shared>>
      tpu.wait_indirect_dma semaphore(%arg13 : memref<!tpu.dma_semaphore, #tpu.memory_space<semaphore_mem>>) src(%arg8 : memref<80x128xf32, #tpu.memory_space<vmem>>) dst(%dma_wait3A_78 : memref<10240x128xf32, #tpu.memory_space<vmem_shared>>)
      %add3A_79 = arith.constant 1 : i32
      %add3A_80 = arith.addi %add3A_60, %add3A_79 : i32
      %mul3A_81 = arith.constant 80 : i32
      %mul3A_82 = arith.muli %add3A_80, %mul3A_81 : i32
      %dma_start3A_83 = tpu.memref_slice %arg6[%mul3A_82] : memref<10000xi32, #tpu.memory_space<vmem>> -> memref<80xi32, #tpu.memory_space<vmem>>
      %dma_start3A_84 = arith.constant 0 : i32
      %dma_start3A_85 = arith.constant 0 : i32
      %dma_start3A_86 = tpu.memref_slice %arg2[%dma_start3A_84, %dma_start3A_85] : memref<10000x128xf32, #tpu.memory_space<hbm>> -> memref<10000x128xf32, #tpu.memory_space<hbm>>
      tpu.enqueue_indirect_dma source(%dma_start3A_86 : memref<10000x128xf32, #tpu.memory_space<hbm>>) target(%arg8 : memref<80x128xf32, #tpu.memory_space<vmem>>) offsets(%dma_start3A_83 : memref<80xi32, #tpu.memory_space<vmem>>) semaphore(%arg11 : memref<!tpu.dma_semaphore, #tpu.memory_space<semaphore_mem>>)
      %dma_wait3A_87 = arith.constant 0 : i32
      %dma_wait3A_88 = tpu.memref_slice %arg6[%dma_wait3A_87] : memref<10000xi32, #tpu.memory_space<vmem>> -> memref<80xi32, #tpu.memory_space<vmem>>
      %dma_wait3A_89 = arith.constant 0 : i32
      %dma_wait3A_90 = arith.constant 0 : i32
      %dma_wait3A_91 = tpu.memref_slice %arg2[%dma_wait3A_89, %dma_wait3A_90] : memref<10000x128xf32, #tpu.memory_space<hbm>> -> memref<10000x128xf32, #tpu.memory_space<hbm>>
      tpu.wait_indirect_dma semaphore(%arg11 : memref<!tpu.dma_semaphore, #tpu.memory_space<semaphore_mem>>) src(%dma_wait3A_91 : memref<10000x128xf32, #tpu.memory_space<hbm>>) dst(%arg8 : memref<80x128xf32, #tpu.memory_space<vmem>>)
      %add3A_92 = arith.constant 1 : i32
      %add3A_93 = arith.addi %add3A_60, %add3A_92 : i32
      %dma_start3A_94 = arith.constant 0 : i32
      %dma_start3A_95 = tpu.memref_slice %arg7[%add3A_93, %dma_start3A_94] : memref<125x80xi32, #tpu.memory_space<vmem>> -> memref<1x80xi32, #tpu.memory_space<vmem>>
      %dma_start3A_96 = tpu.memref_squeeze %dma_start3A_95 : memref<1x80xi32, #tpu.memory_space<vmem>> -> memref<80xi32, #tpu.memory_space<vmem>>
      %dma_start3A_97 = arith.constant 0 : i32
      %dma_start3A_98 = arith.constant 0 : i32
      %dma_start3A_99 = tpu.memref_slice %arg10[%dma_start3A_97, %dma_start3A_98] : memref<10240x128xf32, #tpu.memory_space<vmem_shared>> -> memref<10240x128xf32, #tpu.memory_space<vmem_shared>>
      tpu.enqueue_indirect_dma source(%arg8 : memref<80x128xf32, #tpu.memory_space<vmem>>) target(%dma_start3A_99 : memref<10240x128xf32, #tpu.memory_space<vmem_shared>>) offsets(%dma_start3A_96 : memref<80xi32, #tpu.memory_space<vmem>>) semaphore(%arg13 : memref<!tpu.dma_semaphore, #tpu.memory_space<semaphore_mem>>) {add = true}
      %dma_wait3A_100 = arith.constant 0 : i32
      %dma_wait3A_101 = arith.constant 0 : i32
      %dma_wait3A_102 = tpu.memref_slice %arg7[%dma_wait3A_100, %dma_wait3A_101] : memref<125x80xi32, #tpu.memory_space<vmem>> -> memref<1x80xi32, #tpu.memory_space<vmem>>
      %dma_wait3A_103 = tpu.memref_squeeze %dma_wait3A_102 : memref<1x80xi32, #tpu.memory_space<vmem>> -> memref<80xi32, #tpu.memory_space<vmem>>
      %dma_wait3A_104 = arith.constant 0 : i32
      %dma_wait3A_105 = arith.constant 0 : i32
      %dma_wait3A_106 = tpu.memref_slice %arg10[%dma_wait3A_104, %dma_wait3A_105] : memref<10240x128xf32, #tpu.memory_space<vmem_shared>> -> memref<10240x128xf32, #tpu.memory_space<vmem_shared>>
      tpu.wait_indirect_dma semaphore(%arg14 : memref<!tpu.dma_semaphore, #tpu.memory_space<semaphore_mem>>) src(%arg9 : memref<80x128xf32, #tpu.memory_space<vmem>>) dst(%dma_wait3A_106 : memref<10240x128xf32, #tpu.memory_space<vmem_shared>>)
      %add3A_107 = arith.constant 2 : i32
      %add3A_108 = arith.addi %add3A_60, %add3A_107 : i32
      %lt3A = arith.constant 125 : i32
      %lt3A_109 = arith.cmpi slt, %add3A_108, %lt3A : i32
      %convert_element_type3A = arith.extui %lt3A_109 : i1 to i32
      %cond3A = arith.constant 0 : i32
      %cond3A_110 = arith.cmpi ne, %convert_element_type3A, %cond3A : i32
      scf.if %cond3A_110 {
        %add3A_112 = arith.constant 2 : i32
        %add3A_113 = arith.addi %add3A_60, %add3A_112 : i32
        %mul3A_114 = arith.constant 80 : i32
        %mul3A_115 = arith.muli %add3A_113, %mul3A_114 : i32
        %dma_start3A_116 = tpu.memref_slice %arg6[%mul3A_115] : memref<10000xi32, #tpu.memory_space<vmem>> -> memref<80xi32, #tpu.memory_space<vmem>>
        %dma_start3A_117 = arith.constant 0 : i32
        %dma_start3A_118 = arith.constant 0 : i32
        %dma_start3A_119 = tpu.memref_slice %arg2[%dma_start3A_117, %dma_start3A_118] : memref<10000x128xf32, #tpu.memory_space<hbm>> -> memref<10000x128xf32, #tpu.memory_space<hbm>>
        tpu.enqueue_indirect_dma source(%dma_start3A_119 : memref<10000x128xf32, #tpu.memory_space<hbm>>) target(%arg9 : memref<80x128xf32, #tpu.memory_space<vmem>>) offsets(%dma_start3A_116 : memref<80xi32, #tpu.memory_space<vmem>>) semaphore(%arg12 : memref<!tpu.dma_semaphore, #tpu.memory_space<semaphore_mem>>)
      } else {
      }
      %scan3A_111 = arith.constant 0 : i32
      scf.yield %scan3A_111 : i32
    }
    %scan3A_42 = arith.constant 62 : i32
    %dma_wait3A_43 = arith.constant 0 : i32
    %dma_wait3A_44 = arith.constant 0 : i32
    %dma_wait3A_45 = tpu.memref_slice %arg7[%dma_wait3A_43, %dma_wait3A_44] : memref<125x80xi32, #tpu.memory_space<vmem>> -> memref<1x80xi32, #tpu.memory_space<vmem>>
    %dma_wait3A_46 = tpu.memref_squeeze %dma_wait3A_45 : memref<1x80xi32, #tpu.memory_space<vmem>> -> memref<80xi32, #tpu.memory_space<vmem>>
    %dma_wait3A_47 = arith.constant 0 : i32
    %dma_wait3A_48 = arith.constant 0 : i32
    %dma_wait3A_49 = tpu.memref_slice %arg10[%dma_wait3A_47, %dma_wait3A_48] : memref<10240x128xf32, #tpu.memory_space<vmem_shared>> -> memref<10240x128xf32, #tpu.memory_space<vmem_shared>>
    tpu.wait_indirect_dma semaphore(%arg13 : memref<!tpu.dma_semaphore, #tpu.memory_space<semaphore_mem>>) src(%arg8 : memref<80x128xf32, #tpu.memory_space<vmem>>) dst(%dma_wait3A_49 : memref<10240x128xf32, #tpu.memory_space<vmem_shared>>)
    %barrier3A_50 = arith.constant 0 : index
    tpu.barrier barrier_id(%barrier3A_50)
    %mul3A_51 = arith.constant 640 : i32
    %mul3A_52 = arith.muli %arg1, %mul3A_51 : i32
    %mul3A_53 = arith.constant 640 : i32
    %mul3A_54 = arith.muli %arg1, %mul3A_53 : i32
    "tpu.region"() ({
      %run_scoped3A = tpu.sem_alloc : memref<!tpu.dma_semaphore, #tpu.memory_space<semaphore_mem>>
      %dma_start3A_55 = arith.constant 0 : i32
      %dma_start3A_56 = tpu.memref_slice %arg5[%arg0, %mul3A_54, %dma_start3A_55] : memref<2x10240x128xf32, #tpu.memory_space<hbm>> -> memref<1x640x128xf32, #tpu.memory_space<hbm>>
      %dma_start3A_57 = tpu.memref_squeeze %dma_start3A_56 : memref<1x640x128xf32, #tpu.memory_space<hbm>> -> memref<640x128xf32, #tpu.memory_space<hbm>>
      %dma_start3A_58 = arith.constant 0 : i32
      %dma_start3A_59 = tpu.memref_slice %arg10[%mul3A_52, %dma_start3A_58] : memref<10240x128xf32, #tpu.memory_space<vmem_shared>> -> memref<640x128xf32, #tpu.memory_space<vmem_shared>>
      tpu.enqueue_dma source(%dma_start3A_59 : memref<640x128xf32, #tpu.memory_space<vmem_shared>>) target(%dma_start3A_57 : memref<640x128xf32, #tpu.memory_space<hbm>>) target_semaphore(%run_scoped3A : memref<!tpu.dma_semaphore, #tpu.memory_space<semaphore_mem>>)
      %dma_wait3A_60 = arith.constant 0 : i32
      %dma_wait3A_61 = tpu.memref_slice %arg5[%arg0, %mul3A_54, %dma_wait3A_60] : memref<2x10240x128xf32, #tpu.memory_space<hbm>> -> memref<1x640x128xf32, #tpu.memory_space<hbm>>
      %dma_wait3A_62 = tpu.memref_squeeze %dma_wait3A_61 : memref<1x640x128xf32, #tpu.memory_space<hbm>> -> memref<640x128xf32, #tpu.memory_space<hbm>>
      %dma_wait3A_63 = arith.constant 0 : i32
      %dma_wait3A_64 = tpu.memref_slice %arg10[%mul3A_52, %dma_wait3A_63] : memref<10240x128xf32, #tpu.memory_space<vmem_shared>> -> memref<640x128xf32, #tpu.memory_space<vmem_shared>>
      tpu.wait_dma2 semaphore(%run_scoped3A : memref<!tpu.dma_semaphore, #tpu.memory_space<semaphore_mem>>) src(%dma_wait3A_64 : memref<640x128xf32, #tpu.memory_space<vmem_shared>>) dst(%dma_wait3A_62 : memref<640x128xf32, #tpu.memory_space<hbm>>)
      tpu.yield
    }) : () -> ()
    return
  }
}

#map = affine_map<(d0, d1) -> (0)>
module attributes {stable_mosaic.version = 14 : i64} {
  func.func @_deg_body(%arg0: i32, %arg1: i32, %arg2: memref<320000xi32, #tpu.memory_space<hbm>>, %arg3: memref<320000xf32, #tpu.memory_space<hbm>>, %arg4: memref<10000xi32, #tpu.memory_space<vmem>>, %arg5: memref<10000xf32, #tpu.memory_space<vmem>>) attributes {dimension_semantics = [#tpu.dimension_semantics<core_parallel>, #tpu.dimension_semantics<subcore_parallel>], iteration_bounds = array<i64: 2, 16>, scalar_prefetch = 0 : i64, scratch_operands = 2 : i64, tpu.core_type = #tpu.core_type<sc_vector_subcore>, window_params = [{transform_indices = #map}, {transform_indices = #map}]} {
    %mul3A = arith.constant 2 : i32
    %mul3A_0 = arith.muli %arg1, %mul3A : i32
    %add3A = arith.addi %mul3A_0, %arg0 : i32
    %mul3A_1 = arith.constant 10000 : i32
    %mul3A_2 = arith.muli %add3A, %mul3A_1 : i32
    "tpu.region"() ({
      %run_scoped3A = tpu.sem_alloc : memref<!tpu.dma_semaphore, #tpu.memory_space<semaphore_mem>>
      %dma_start3A = tpu.memref_slice %arg2[%mul3A_2] : memref<320000xi32, #tpu.memory_space<hbm>> -> memref<10000xi32, #tpu.memory_space<hbm>>
      %dma_start3A_24 = tpu.memref_slice %arg2[%mul3A_2] : memref<320000xi32, #tpu.memory_space<hbm>> -> memref<10000xi32, #tpu.memory_space<hbm>>
      tpu.enqueue_dma source(%dma_start3A_24 : memref<10000xi32, #tpu.memory_space<hbm>>) target(%arg4 : memref<10000xi32, #tpu.memory_space<vmem>>) target_semaphore(%run_scoped3A : memref<!tpu.dma_semaphore, #tpu.memory_space<semaphore_mem>>)
      %dma_wait3A = tpu.memref_slice %arg2[%mul3A_2] : memref<320000xi32, #tpu.memory_space<hbm>> -> memref<10000xi32, #tpu.memory_space<hbm>>
      %dma_wait3A_25 = tpu.memref_slice %arg2[%mul3A_2] : memref<320000xi32, #tpu.memory_space<hbm>> -> memref<10000xi32, #tpu.memory_space<hbm>>
      tpu.wait_dma2 semaphore(%run_scoped3A : memref<!tpu.dma_semaphore, #tpu.memory_space<semaphore_mem>>) src(%dma_wait3A_25 : memref<10000xi32, #tpu.memory_space<hbm>>) dst(%arg4 : memref<10000xi32, #tpu.memory_space<vmem>>)
      tpu.yield
    }) : () -> ()
    %scan3A = arith.constant 0 : i32
    %scan3A_3 = arith.constant 0 : i32
    %scan3A_4 = arith.constant 625 : i32
    %scan3A_5 = arith.addi %scan3A_3, %scan3A_4 : i32
    %scan3A_6 = arith.constant 1 : i32
    %scan3A_7 = scf.for %scan3A_24 = %scan3A_3 to %scan3A_5 step %scan3A_6 iter_args(%scan3A_25 = %scan3A) -> (i32)  : i32 {
      %broadcast_in_dim3A_26 = arith.constant 0.000000e+00 : f32
      %broadcast_in_dim3A_27 = vector.broadcast %broadcast_in_dim3A_26 : f32 to vector<16xf32>
      %mul3A_28 = arith.constant 16 : i32
      %mul3A_29 = arith.muli %scan3A_24, %mul3A_28 : i32
      %swap3A = arith.index_cast %mul3A_29 : i32 to index
      %swap3A_30 = tpu.vector_load %arg5[%swap3A] {strides = array<i32>} : memref<10000xf32, #tpu.memory_space<vmem>>, vector<16xf32>,
      tpu.vector_store %arg5[%swap3A], %broadcast_in_dim3A_27 {strides = array<i32>} : memref<10000xf32, #tpu.memory_space<vmem>>, vector<16xf32>,
      %scan3A_31 = arith.constant 0 : i32
      scf.yield %scan3A_31 : i32
    }
    %scan3A_8 = arith.constant 625 : i32
    %broadcast_in_dim3A = arith.constant 1.000000e+00 : f32
    %broadcast_in_dim3A_9 = vector.broadcast %broadcast_in_dim3A : f32 to vector<16xf32>
    %scan3A_10 = arith.constant 0 : i32
    %scan3A_11 = arith.constant 0 : i32
    %scan3A_12 = arith.constant 625 : i32
    %scan3A_13 = arith.addi %scan3A_11, %scan3A_12 : i32
    %scan3A_14 = arith.constant 1 : i32
    %scan3A_15 = scf.for %scan3A_24 = %scan3A_11 to %scan3A_13 step %scan3A_14 iter_args(%scan3A_25 = %scan3A_10) -> (i32)  : i32 {
      %mul3A_26 = arith.constant 16 : i32
      %mul3A_27 = arith.muli %scan3A_24, %mul3A_26 : i32
      %get3A = arith.index_cast %mul3A_27 : i32 to index
      %get3A_28 = tpu.vector_load %arg4[%get3A] {strides = array<i32>} : memref<10000xi32, #tpu.memory_space<vmem>>, vector<16xi32>,
      tpu.vector_store_idx %arg5[%get3A_28], %broadcast_in_dim3A_9 {add = true} : memref<10000xf32, #tpu.memory_space<vmem>>[vector<16xi32>], vector<16xf32>,
      %scan3A_29 = arith.constant 0 : i32
      scf.yield %scan3A_29 : i32
    }
    %scan3A_16 = arith.constant 625 : i32
    %scan3A_17 = arith.constant 0 : i32
    %scan3A_18 = arith.constant 0 : i32
    %scan3A_19 = arith.constant 10 : i32
    %scan3A_20 = arith.addi %scan3A_18, %scan3A_19 : i32
    %scan3A_21 = arith.constant 1 : i32
    %scan3A_22 = scf.for %scan3A_24 = %scan3A_18 to %scan3A_20 step %scan3A_21 iter_args(%scan3A_25 = %scan3A_17) -> (i32)  : i32 {
      %mul3A_26 = arith.constant 1000 : i32
      %mul3A_27 = arith.muli %scan3A_24, %mul3A_26 : i32
      %mul3A_28 = arith.constant 32 : i32
      %mul3A_29 = arith.muli %scan3A_24, %mul3A_28 : i32
      %mul3A_30 = arith.constant 1000 : i32
      %mul3A_31 = arith.muli %mul3A_29, %mul3A_30 : i32
      %mul3A_32 = arith.constant 1000 : i32
      %mul3A_33 = arith.muli %add3A, %mul3A_32 : i32
      %add3A_34 = arith.addi %mul3A_31, %mul3A_33 : i32
      "tpu.region"() ({
        %run_scoped3A = tpu.sem_alloc : memref<!tpu.dma_semaphore, #tpu.memory_space<semaphore_mem>>
        %dma_start3A = tpu.memref_slice %arg5[%mul3A_27] : memref<10000xf32, #tpu.memory_space<vmem>> -> memref<1000xf32, #tpu.memory_space<vmem>>
        %dma_start3A_36 = tpu.memref_slice %arg3[%add3A_34] : memref<320000xf32, #tpu.memory_space<hbm>> -> memref<1000xf32, #tpu.memory_space<hbm>>
        %dma_start3A_37 = tpu.memref_slice %arg3[%add3A_34] : memref<320000xf32, #tpu.memory_space<hbm>> -> memref<1000xf32, #tpu.memory_space<hbm>>
        %dma_start3A_38 = tpu.memref_slice %arg5[%mul3A_27] : memref<10000xf32, #tpu.memory_space<vmem>> -> memref<1000xf32, #tpu.memory_space<vmem>>
        tpu.enqueue_dma source(%dma_start3A_38 : memref<1000xf32, #tpu.memory_space<vmem>>) target(%dma_start3A_37 : memref<1000xf32, #tpu.memory_space<hbm>>) target_semaphore(%run_scoped3A : memref<!tpu.dma_semaphore, #tpu.memory_space<semaphore_mem>>)
        %dma_wait3A = tpu.memref_slice %arg5[%mul3A_27] : memref<10000xf32, #tpu.memory_space<vmem>> -> memref<1000xf32, #tpu.memory_space<vmem>>
        %dma_wait3A_39 = tpu.memref_slice %arg3[%add3A_34] : memref<320000xf32, #tpu.memory_space<hbm>> -> memref<1000xf32, #tpu.memory_space<hbm>>
        %dma_wait3A_40 = tpu.memref_slice %arg3[%add3A_34] : memref<320000xf32, #tpu.memory_space<hbm>> -> memref<1000xf32, #tpu.memory_space<hbm>>
        %dma_wait3A_41 = tpu.memref_slice %arg5[%mul3A_27] : memref<10000xf32, #tpu.memory_space<vmem>> -> memref<1000xf32, #tpu.memory_space<vmem>>
        tpu.wait_dma2 semaphore(%run_scoped3A : memref<!tpu.dma_semaphore, #tpu.memory_space<semaphore_mem>>) src(%dma_wait3A_41 : memref<1000xf32, #tpu.memory_space<vmem>>) dst(%dma_wait3A_40 : memref<1000xf32, #tpu.memory_space<hbm>>)
        tpu.yield
      }) : () -> ()
      %scan3A_35 = arith.constant 0 : i32
      scf.yield %scan3A_35 : i32
    }
    %scan3A_23 = arith.constant 10 : i32
    return
  }
}

#map = affine_map<(d0, d1) -> (0, 0)>
#map1 = affine_map<(d0, d1) -> (0)>
#map2 = affine_map<(d0, d1) -> (0, 0, 0)>
module attributes {stable_mosaic.version = 14 : i64} {
  func.func @_scat_body(%arg0: i32, %arg1: i32, %arg2: memref<10000x128xf32, #tpu.memory_space<hbm>>, %arg3: memref<320000xi32, #tpu.memory_space<hbm>>, %arg4: memref<32x125x80xi32, #tpu.memory_space<hbm>>, %arg5: memref<2x10240x128xf32, #tpu.memory_space<hbm>>, %arg6: memref<10000xi32, #tpu.memory_space<vmem>>, %arg7: memref<125x80xi32, #tpu.memory_space<vmem>>, %arg8: memref<80x128xf32, #tpu.memory_space<vmem>>, %arg9: memref<80x128xf32, #tpu.memory_space<vmem>>, %arg10: memref<10240x128xf32, #tpu.memory_space<vmem_shared>>, %arg11: memref<!tpu.dma_semaphore, #tpu.memory_space<semaphore_mem>>, %arg12: memref<!tpu.dma_semaphore, #tpu.memory_space<semaphore_mem>>, %arg13: memref<!tpu.dma_semaphore, #tpu.memory_space<semaphore_mem>>, %arg14: memref<!tpu.dma_semaphore, #tpu.memory_space<semaphore_mem>>) attributes {dimension_semantics = [#tpu.dimension_semantics<core_parallel>, #tpu.dimension_semantics<subcore_parallel>], iteration_bounds = array<i64: 2, 16>, scalar_prefetch = 0 : i64, scratch_operands = 9 : i64, tpu.core_type = #tpu.core_type<sc_vector_subcore>, window_params = [{transform_indices = #map}, {transform_indices = #map1}, {transform_indices = #map2}, {transform_indices = #map2}]} {
    %mul3A = arith.constant 2 : i32
    %mul3A_0 = arith.muli %arg1, %mul3A : i32
    %add3A = arith.addi %mul3A_0, %arg0 : i32
    %mul3A_1 = arith.constant 10000 : i32
    %mul3A_2 = arith.muli %add3A, %mul3A_1 : i32
    "tpu.region"() ({
      %run_scoped3A = tpu.sem_alloc : memref<!tpu.dma_semaphore, #tpu.memory_space<semaphore_mem>>
      %dma_start3A_55 = tpu.memref_slice %arg3[%mul3A_2] : memref<320000xi32, #tpu.memory_space<hbm>> -> memref<10000xi32, #tpu.memory_space<hbm>>
      %dma_start3A_56 = tpu.memref_slice %arg3[%mul3A_2] : memref<320000xi32, #tpu.memory_space<hbm>> -> memref<10000xi32, #tpu.memory_space<hbm>>
      tpu.enqueue_dma source(%dma_start3A_56 : memref<10000xi32, #tpu.memory_space<hbm>>) target(%arg6 : memref<10000xi32, #tpu.memory_space<vmem>>) target_semaphore(%run_scoped3A : memref<!tpu.dma_semaphore, #tpu.memory_space<semaphore_mem>>)
      %dma_wait3A_57 = tpu.memref_slice %arg3[%mul3A_2] : memref<320000xi32, #tpu.memory_space<hbm>> -> memref<10000xi32, #tpu.memory_space<hbm>>
      %dma_wait3A_58 = tpu.memref_slice %arg3[%mul3A_2] : memref<320000xi32, #tpu.memory_space<hbm>> -> memref<10000xi32, #tpu.memory_space<hbm>>
      tpu.wait_dma2 semaphore(%run_scoped3A : memref<!tpu.dma_semaphore, #tpu.memory_space<semaphore_mem>>) src(%dma_wait3A_58 : memref<10000xi32, #tpu.memory_space<hbm>>) dst(%arg6 : memref<10000xi32, #tpu.memory_space<vmem>>)
      tpu.yield
    }) : () -> ()
    "tpu.region"() ({
      %run_scoped3A = tpu.sem_alloc : memref<!tpu.dma_semaphore, #tpu.memory_space<semaphore_mem>>
      %dma_start3A_55 = arith.constant 0 : i32
      %dma_start3A_56 = arith.constant 0 : i32
      %dma_start3A_57 = tpu.memref_slice %arg4[%add3A, %dma_start3A_55, %dma_start3A_56] : memref<32x125x80xi32, #tpu.memory_space<hbm>> -> memref<1x125x80xi32, #tpu.memory_space<hbm>>
      %dma_start3A_58 = tpu.memref_squeeze %dma_start3A_57 : memref<1x125x80xi32, #tpu.memory_space<hbm>> -> memref<125x80xi32, #tpu.memory_space<hbm>>
      %dma_start3A_59 = arith.constant 0 : i32
      %dma_start3A_60 = arith.constant 0 : i32
      %dma_start3A_61 = tpu.memref_slice %arg4[%add3A, %dma_start3A_59, %dma_start3A_60] : memref<32x125x80xi32, #tpu.memory_space<hbm>> -> memref<1x125x80xi32, #tpu.memory_space<hbm>>
      %dma_start3A_62 = tpu.memref_squeeze %dma_start3A_61 : memref<1x125x80xi32, #tpu.memory_space<hbm>> -> memref<125x80xi32, #tpu.memory_space<hbm>>
      tpu.enqueue_dma source(%dma_start3A_62 : memref<125x80xi32, #tpu.memory_space<hbm>>) target(%arg7 : memref<125x80xi32, #tpu.memory_space<vmem>>) target_semaphore(%run_scoped3A : memref<!tpu.dma_semaphore, #tpu.memory_space<semaphore_mem>>)
      %dma_wait3A_63 = arith.constant 0 : i32
      %dma_wait3A_64 = arith.constant 0 : i32
      %dma_wait3A_65 = tpu.memref_slice %arg4[%add3A, %dma_wait3A_63, %dma_wait3A_64] : memref<32x125x80xi32, #tpu.memory_space<hbm>> -> memref<1x125x80xi32, #tpu.memory_space<hbm>>
      %dma_wait3A_66 = tpu.memref_squeeze %dma_wait3A_65 : memref<1x125x80xi32, #tpu.memory_space<hbm>> -> memref<125x80xi32, #tpu.memory_space<hbm>>
      %dma_wait3A_67 = arith.constant 0 : i32
      %dma_wait3A_68 = arith.constant 0 : i32
      %dma_wait3A_69 = tpu.memref_slice %arg4[%add3A, %dma_wait3A_67, %dma_wait3A_68] : memref<32x125x80xi32, #tpu.memory_space<hbm>> -> memref<1x125x80xi32, #tpu.memory_space<hbm>>
      %dma_wait3A_70 = tpu.memref_squeeze %dma_wait3A_69 : memref<1x125x80xi32, #tpu.memory_space<hbm>> -> memref<125x80xi32, #tpu.memory_space<hbm>>
      tpu.wait_dma2 semaphore(%run_scoped3A : memref<!tpu.dma_semaphore, #tpu.memory_space<semaphore_mem>>) src(%dma_wait3A_70 : memref<125x80xi32, #tpu.memory_space<hbm>>) dst(%arg7 : memref<125x80xi32, #tpu.memory_space<vmem>>)
      tpu.yield
    }) : () -> ()
    %scan3A = arith.constant 0 : i32
    %scan3A_3 = arith.constant 0 : i32
    %scan3A_4 = arith.constant 640 : i32
    %scan3A_5 = arith.addi %scan3A_3, %scan3A_4 : i32
    %scan3A_6 = arith.constant 1 : i32
    %scan3A_7 = scf.for %scan3A_55 = %scan3A_3 to %scan3A_5 step %scan3A_6 iter_args(%scan3A_56 = %scan3A) -> (i32)  : i32 {
      %broadcast_in_dim3A = arith.constant 0.000000e+00 : f32
      %broadcast_in_dim3A_57 = vector.broadcast %broadcast_in_dim3A : f32 to vector<16xf32>
      %jit3A = arith.constant 8 : i32
      %div3A = arith.divsi %scan3A_55, %jit3A : i32
      %sign3A = arith.constant 0 : i32
      %sign3A_58 = arith.cmpi sgt, %scan3A_55, %sign3A : i32
      %sign3A_59 = arith.extui %sign3A_58 : i1 to i32
      %sign3A_60 = arith.constant 0 : i32
      %sign3A_61 = arith.cmpi slt, %scan3A_55, %sign3A_60 : i32
      %sign3A_62 = arith.extui %sign3A_61 : i1 to i32
      %sign3A_63 = arith.subi %sign3A_59, %sign3A_62 : i32
      %sign3A_64 = arith.constant 0 : i32
      %sign3A_65 = arith.cmpi sgt, %jit3A, %sign3A_64 : i32
      %sign3A_66 = arith.extui %sign3A_65 : i1 to i32
      %sign3A_67 = arith.constant 0 : i32
      %sign3A_68 = arith.cmpi slt, %jit3A, %sign3A_67 : i32
      %sign3A_69 = arith.extui %sign3A_68 : i1 to i32
      %sign3A_70 = arith.subi %sign3A_66, %sign3A_69 : i32
      %ne3A = arith.cmpi ne, %sign3A_63, %sign3A_70 : i32
      %rem3A = arith.remsi %scan3A_55, %jit3A : i32
      %ne3A_71 = arith.constant 0 : i32
      %ne3A_72 = arith.cmpi ne, %rem3A, %ne3A_71 : i32
      %and3A = arith.andi %ne3A, %ne3A_72 : i1
      %sub3A = arith.constant 1 : i32
      %sub3A_73 = arith.subi %div3A, %sub3A : i32
      %select_n3A = arith.select %and3A, %sub3A_73, %div3A : i32
      %jit3A_74 = arith.constant 8 : i32
      %eq3A = arith.constant 0 : i32
      %eq3A_75 = arith.cmpi eq, %jit3A_74, %eq3A : i32
      %jit3A_76 = arith.constant 1 : i32
      %select_n3A_77 = arith.select %eq3A_75, %jit3A_76, %jit3A_74 : i32
      %rem3A_78 = arith.remsi %scan3A_55, %select_n3A_77 : i32
      %ne3A_79 = arith.constant 0 : i32
      %ne3A_80 = arith.cmpi ne, %rem3A_78, %ne3A_79 : i32
      %lt3A = arith.constant 0 : i32
      %lt3A_81 = arith.cmpi slt, %rem3A_78, %lt3A : i32
      %lt3A_82 = arith.constant 0 : i32
      %lt3A_83 = arith.cmpi slt, %select_n3A_77, %lt3A_82 : i32
      %ne3A_84 = arith.xori %lt3A_81, %lt3A_83 : i1
      %and3A_85 = arith.andi %ne3A_84, %ne3A_80 : i1
      %add3A_86 = arith.addi %rem3A_78, %select_n3A_77 : i32
      %select_n3A_87 = arith.select %and3A_85, %add3A_86, %rem3A_78 : i32
      %mul3A_88 = arith.constant 16 : i32
      %mul3A_89 = arith.muli %select_n3A_87, %mul3A_88 : i32
      %swap3A = arith.index_cast %select_n3A : i32 to index
      %swap3A_90 = arith.index_cast %mul3A_89 : i32 to index
      %swap3A_91 = tpu.vector_load %arg8[%swap3A, %swap3A_90] {strides = array<i32>} : memref<80x128xf32, #tpu.memory_space<vmem>>, vector<16xf32>,
      tpu.vector_store %arg8[%swap3A, %swap3A_90], %broadcast_in_dim3A_57 {strides = array<i32>} : memref<80x128xf32, #tpu.memory_space<vmem>>, vector<16xf32>,
      %scan3A_92 = arith.constant 0 : i32
      scf.yield %scan3A_92 : i32
    }
    %scan3A_8 = arith.constant 640 : i32
    %scan3A_9 = arith.constant 0 : i32
    %scan3A_10 = arith.constant 0 : i32
    %scan3A_11 = arith.constant 8 : i32
    %scan3A_12 = arith.addi %scan3A_10, %scan3A_11 : i32
    %scan3A_13 = arith.constant 1 : i32
    %scan3A_14 = scf.for %scan3A_55 = %scan3A_10 to %scan3A_12 step %scan3A_13 iter_args(%scan3A_56 = %scan3A_9) -> (i32)  : i32 {
      %mul3A_57 = arith.constant 640 : i32
      %mul3A_58 = arith.muli %arg1, %mul3A_57 : i32
      %mul3A_59 = arith.constant 80 : i32
      %mul3A_60 = arith.muli %scan3A_55, %mul3A_59 : i32
      %add3A_61 = arith.addi %mul3A_58, %mul3A_60 : i32
      "tpu.region"() ({
        %run_scoped3A = tpu.sem_alloc : memref<!tpu.dma_semaphore, #tpu.memory_space<semaphore_mem>>
        %dma_start3A_63 = arith.constant 0 : i32
        %dma_start3A_64 = tpu.memref_slice %arg10[%add3A_61, %dma_start3A_63] : memref<10240x128xf32, #tpu.memory_space<vmem_shared>> -> memref<80x128xf32, #tpu.memory_space<vmem_shared>>
        %dma_start3A_65 = arith.constant 0 : i32
        %dma_start3A_66 = tpu.memref_slice %arg10[%add3A_61, %dma_start3A_65] : memref<10240x128xf32, #tpu.memory_space<vmem_shared>> -> memref<80x128xf32, #tpu.memory_space<vmem_shared>>
        tpu.enqueue_dma source(%arg8 : memref<80x128xf32, #tpu.memory_space<vmem>>) target(%dma_start3A_66 : memref<80x128xf32, #tpu.memory_space<vmem_shared>>) target_semaphore(%run_scoped3A : memref<!tpu.dma_semaphore, #tpu.memory_space<semaphore_mem>>)
        %dma_wait3A_67 = arith.constant 0 : i32
        %dma_wait3A_68 = tpu.memref_slice %arg10[%add3A_61, %dma_wait3A_67] : memref<10240x128xf32, #tpu.memory_space<vmem_shared>> -> memref<80x128xf32, #tpu.memory_space<vmem_shared>>
        %dma_wait3A_69 = arith.constant 0 : i32
        %dma_wait3A_70 = tpu.memref_slice %arg10[%add3A_61, %dma_wait3A_69] : memref<10240x128xf32, #tpu.memory_space<vmem_shared>> -> memref<80x128xf32, #tpu.memory_space<vmem_shared>>
        tpu.wait_dma2 semaphore(%run_scoped3A : memref<!tpu.dma_semaphore, #tpu.memory_space<semaphore_mem>>) src(%arg8 : memref<80x128xf32, #tpu.memory_space<vmem>>) dst(%dma_wait3A_70 : memref<80x128xf32, #tpu.memory_space<vmem_shared>>)
        tpu.yield
      }) : () -> ()
      %scan3A_62 = arith.constant 0 : i32
      scf.yield %scan3A_62 : i32
    }
    %scan3A_15 = arith.constant 8 : i32
    %barrier3A = arith.constant 0 : index
    tpu.barrier barrier_id(%barrier3A)
    %dma_start3A = arith.constant 0 : i32
    %dma_start3A_16 = tpu.memref_slice %arg6[%dma_start3A] : memref<10000xi32, #tpu.memory_space<vmem>> -> memref<80xi32, #tpu.memory_space<vmem>>
    %dma_start3A_17 = arith.constant 0 : i32
    %dma_start3A_18 = arith.constant 0 : i32
    %dma_start3A_19 = tpu.memref_slice %arg2[%dma_start3A_17, %dma_start3A_18] : memref<10000x128xf32, #tpu.memory_space<hbm>> -> memref<10000x128xf32, #tpu.memory_space<hbm>>
    tpu.enqueue_indirect_dma source(%dma_start3A_19 : memref<10000x128xf32, #tpu.memory_space<hbm>>) target(%arg8 : memref<80x128xf32, #tpu.memory_space<vmem>>) offsets(%dma_start3A_16 : memref<80xi32, #tpu.memory_space<vmem>>) semaphore(%arg11 : memref<!tpu.dma_semaphore, #tpu.memory_space<semaphore_mem>>)
    %dma_start3A_20 = arith.constant 80 : i32
    %dma_start3A_21 = tpu.memref_slice %arg6[%dma_start3A_20] : memref<10000xi32, #tpu.memory_space<vmem>> -> memref<80xi32, #tpu.memory_space<vmem>>
    %dma_start3A_22 = arith.constant 0 : i32
    %dma_start3A_23 = arith.constant 0 : i32
    %dma_start3A_24 = tpu.memref_slice %arg2[%dma_start3A_22, %dma_start3A_23] : memref<10000x128xf32, #tpu.memory_space<hbm>> -> memref<10000x128xf32, #tpu.memory_space<hbm>>
    tpu.enqueue_indirect_dma source(%dma_start3A_24 : memref<10000x128xf32, #tpu.memory_space<hbm>>) target(%arg9 : memref<80x128xf32, #tpu.memory_space<vmem>>) offsets(%dma_start3A_21 : memref<80xi32, #tpu.memory_space<vmem>>) semaphore(%arg12 : memref<!tpu.dma_semaphore, #tpu.memory_space<semaphore_mem>>)
    %dma_wait3A = arith.constant 0 : i32
    %dma_wait3A_25 = tpu.memref_slice %arg6[%dma_wait3A] : memref<10000xi32, #tpu.memory_space<vmem>> -> memref<80xi32, #tpu.memory_space<vmem>>
    %dma_wait3A_26 = arith.constant 0 : i32
    %dma_wait3A_27 = arith.constant 0 : i32
    %dma_wait3A_28 = tpu.memref_slice %arg2[%dma_wait3A_26, %dma_wait3A_27] : memref<10000x128xf32, #tpu.memory_space<hbm>> -> memref<10000x128xf32, #tpu.memory_space<hbm>>
    tpu.wait_indirect_dma semaphore(%arg11 : memref<!tpu.dma_semaphore, #tpu.memory_space<semaphore_mem>>) src(%dma_wait3A_28 : memref<10000x128xf32, #tpu.memory_space<hbm>>) dst(%arg8 : memref<80x128xf32, #tpu.memory_space<vmem>>)
    %dma_start3A_29 = arith.constant 0 : i32
    %dma_start3A_30 = arith.constant 0 : i32
    %dma_start3A_31 = tpu.memref_slice %arg7[%dma_start3A_29, %dma_start3A_30] : memref<125x80xi32, #tpu.memory_space<vmem>> -> memref<1x80xi32, #tpu.memory_space<vmem>>
    %dma_start3A_32 = tpu.memref_squeeze %dma_start3A_31 : memref<1x80xi32, #tpu.memory_space<vmem>> -> memref<80xi32, #tpu.memory_space<vmem>>
    %dma_start3A_33 = arith.constant 0 : i32
    %dma_start3A_34 = arith.constant 0 : i32
    %dma_start3A_35 = tpu.memref_slice %arg10[%dma_start3A_33, %dma_start3A_34] : memref<10240x128xf32, #tpu.memory_space<vmem_shared>> -> memref<10240x128xf32, #tpu.memory_space<vmem_shared>>
    tpu.enqueue_indirect_dma source(%arg8 : memref<80x128xf32, #tpu.memory_space<vmem>>) target(%dma_start3A_35 : memref<10240x128xf32, #tpu.memory_space<vmem_shared>>) offsets(%dma_start3A_32 : memref<80xi32, #tpu.memory_space<vmem>>) semaphore(%arg13 : memref<!tpu.dma_semaphore, #tpu.memory_space<semaphore_mem>>) {add = true}
    %scan3A_36 = arith.constant 0 : i32
    %scan3A_37 = arith.constant 0 : i32
    %scan3A_38 = arith.constant 62 : i32
    %scan3A_39 = arith.addi %scan3A_37, %scan3A_38 : i32
    %scan3A_40 = arith.constant 1 : i32
    %scan3A_41 = scf.for %scan3A_55 = %scan3A_37 to %scan3A_39 step %scan3A_40 iter_args(%scan3A_56 = %scan3A_36) -> (i32)  : i32 {
      %mul3A_57 = arith.constant 2 : i32
      %mul3A_58 = arith.muli %mul3A_57, %scan3A_55 : i32
      %add3A_59 = arith.constant 1 : i32
      %add3A_60 = arith.addi %mul3A_58, %add3A_59 : i32
      %dma_wait3A_61 = arith.constant 0 : i32
      %dma_wait3A_62 = tpu.memref_slice %arg6[%dma_wait3A_61] : memref<10000xi32, #tpu.memory_space<vmem>> -> memref<80xi32, #tpu.memory_space<vmem>>
      %dma_wait3A_63 = arith.constant 0 : i32
      %dma_wait3A_64 = arith.constant 0 : i32
      %dma_wait3A_65 = tpu.memref_slice %arg2[%dma_wait3A_63, %dma_wait3A_64] : memref<10000x128xf32, #tpu.memory_space<hbm>> -> memref<10000x128xf32, #tpu.memory_space<hbm>>
      tpu.wait_indirect_dma semaphore(%arg12 : memref<!tpu.dma_semaphore, #tpu.memory_space<semaphore_mem>>) src(%dma_wait3A_65 : memref<10000x128xf32, #tpu.memory_space<hbm>>) dst(%arg9 : memref<80x128xf32, #tpu.memory_space<vmem>>)
      %dma_start3A_66 = arith.constant 0 : i32
      %dma_start3A_67 = tpu.memref_slice %arg7[%add3A_60, %dma_start3A_66] : memref<125x80xi32, #tpu.memory_space<vmem>> -> memref<1x80xi32, #tpu.memory_space<vmem>>
      %dma_start3A_68 = tpu.memref_squeeze %dma_start3A_67 : memref<1x80xi32, #tpu.memory_space<vmem>> -> memref<80xi32, #tpu.memory_space<vmem>>
      %dma_start3A_69 = arith.constant 0 : i32
      %dma_start3A_70 = arith.constant 0 : i32
      %dma_start3A_71 = tpu.memref_slice %arg10[%dma_start3A_69, %dma_start3A_70] : memref<10240x128xf32, #tpu.memory_space<vmem_shared>> -> memref<10240x128xf32, #tpu.memory_space<vmem_shared>>
      tpu.enqueue_indirect_dma source(%arg9 : memref<80x128xf32, #tpu.memory_space<vmem>>) target(%dma_start3A_71 : memref<10240x128xf32, #tpu.memory_space<vmem_shared>>) offsets(%dma_start3A_68 : memref<80xi32, #tpu.memory_space<vmem>>) semaphore(%arg14 : memref<!tpu.dma_semaphore, #tpu.memory_space<semaphore_mem>>) {add = true}
      %dma_wait3A_72 = arith.constant 0 : i32
      %dma_wait3A_73 = arith.constant 0 : i32
      %dma_wait3A_74 = tpu.memref_slice %arg7[%dma_wait3A_72, %dma_wait3A_73] : memref<125x80xi32, #tpu.memory_space<vmem>> -> memref<1x80xi32, #tpu.memory_space<vmem>>
      %dma_wait3A_75 = tpu.memref_squeeze %dma_wait3A_74 : memref<1x80xi32, #tpu.memory_space<vmem>> -> memref<80xi32, #tpu.memory_space<vmem>>
      %dma_wait3A_76 = arith.constant 0 : i32
      %dma_wait3A_77 = arith.constant 0 : i32
      %dma_wait3A_78 = tpu.memref_slice %arg10[%dma_wait3A_76, %dma_wait3A_77] : memref<10240x128xf32, #tpu.memory_space<vmem_shared>> -> memref<10240x128xf32, #tpu.memory_space<vmem_shared>>
      tpu.wait_indirect_dma semaphore(%arg13 : memref<!tpu.dma_semaphore, #tpu.memory_space<semaphore_mem>>) src(%arg8 : memref<80x128xf32, #tpu.memory_space<vmem>>) dst(%dma_wait3A_78 : memref<10240x128xf32, #tpu.memory_space<vmem_shared>>)
      %add3A_79 = arith.constant 1 : i32
      %add3A_80 = arith.addi %add3A_60, %add3A_79 : i32
      %mul3A_81 = arith.constant 80 : i32
      %mul3A_82 = arith.muli %add3A_80, %mul3A_81 : i32
      %dma_start3A_83 = tpu.memref_slice %arg6[%mul3A_82] : memref<10000xi32, #tpu.memory_space<vmem>> -> memref<80xi32, #tpu.memory_space<vmem>>
      %dma_start3A_84 = arith.constant 0 : i32
      %dma_start3A_85 = arith.constant 0 : i32
      %dma_start3A_86 = tpu.memref_slice %arg2[%dma_start3A_84, %dma_start3A_85] : memref<10000x128xf32, #tpu.memory_space<hbm>> -> memref<10000x128xf32, #tpu.memory_space<hbm>>
      tpu.enqueue_indirect_dma source(%dma_start3A_86 : memref<10000x128xf32, #tpu.memory_space<hbm>>) target(%arg8 : memref<80x128xf32, #tpu.memory_space<vmem>>) offsets(%dma_start3A_83 : memref<80xi32, #tpu.memory_space<vmem>>) semaphore(%arg11 : memref<!tpu.dma_semaphore, #tpu.memory_space<semaphore_mem>>)
      %dma_wait3A_87 = arith.constant 0 : i32
      %dma_wait3A_88 = tpu.memref_slice %arg6[%dma_wait3A_87] : memref<10000xi32, #tpu.memory_space<vmem>> -> memref<80xi32, #tpu.memory_space<vmem>>
      %dma_wait3A_89 = arith.constant 0 : i32
      %dma_wait3A_90 = arith.constant 0 : i32
      %dma_wait3A_91 = tpu.memref_slice %arg2[%dma_wait3A_89, %dma_wait3A_90] : memref<10000x128xf32, #tpu.memory_space<hbm>> -> memref<10000x128xf32, #tpu.memory_space<hbm>>
      tpu.wait_indirect_dma semaphore(%arg11 : memref<!tpu.dma_semaphore, #tpu.memory_space<semaphore_mem>>) src(%dma_wait3A_91 : memref<10000x128xf32, #tpu.memory_space<hbm>>) dst(%arg8 : memref<80x128xf32, #tpu.memory_space<vmem>>)
      %add3A_92 = arith.constant 1 : i32
      %add3A_93 = arith.addi %add3A_60, %add3A_92 : i32
      %dma_start3A_94 = arith.constant 0 : i32
      %dma_start3A_95 = tpu.memref_slice %arg7[%add3A_93, %dma_start3A_94] : memref<125x80xi32, #tpu.memory_space<vmem>> -> memref<1x80xi32, #tpu.memory_space<vmem>>
      %dma_start3A_96 = tpu.memref_squeeze %dma_start3A_95 : memref<1x80xi32, #tpu.memory_space<vmem>> -> memref<80xi32, #tpu.memory_space<vmem>>
      %dma_start3A_97 = arith.constant 0 : i32
      %dma_start3A_98 = arith.constant 0 : i32
      %dma_start3A_99 = tpu.memref_slice %arg10[%dma_start3A_97, %dma_start3A_98] : memref<10240x128xf32, #tpu.memory_space<vmem_shared>> -> memref<10240x128xf32, #tpu.memory_space<vmem_shared>>
      tpu.enqueue_indirect_dma source(%arg8 : memref<80x128xf32, #tpu.memory_space<vmem>>) target(%dma_start3A_99 : memref<10240x128xf32, #tpu.memory_space<vmem_shared>>) offsets(%dma_start3A_96 : memref<80xi32, #tpu.memory_space<vmem>>) semaphore(%arg13 : memref<!tpu.dma_semaphore, #tpu.memory_space<semaphore_mem>>) {add = true}
      %dma_wait3A_100 = arith.constant 0 : i32
      %dma_wait3A_101 = arith.constant 0 : i32
      %dma_wait3A_102 = tpu.memref_slice %arg7[%dma_wait3A_100, %dma_wait3A_101] : memref<125x80xi32, #tpu.memory_space<vmem>> -> memref<1x80xi32, #tpu.memory_space<vmem>>
      %dma_wait3A_103 = tpu.memref_squeeze %dma_wait3A_102 : memref<1x80xi32, #tpu.memory_space<vmem>> -> memref<80xi32, #tpu.memory_space<vmem>>
      %dma_wait3A_104 = arith.constant 0 : i32
      %dma_wait3A_105 = arith.constant 0 : i32
      %dma_wait3A_106 = tpu.memref_slice %arg10[%dma_wait3A_104, %dma_wait3A_105] : memref<10240x128xf32, #tpu.memory_space<vmem_shared>> -> memref<10240x128xf32, #tpu.memory_space<vmem_shared>>
      tpu.wait_indirect_dma semaphore(%arg14 : memref<!tpu.dma_semaphore, #tpu.memory_space<semaphore_mem>>) src(%arg9 : memref<80x128xf32, #tpu.memory_space<vmem>>) dst(%dma_wait3A_106 : memref<10240x128xf32, #tpu.memory_space<vmem_shared>>)
      %add3A_107 = arith.constant 2 : i32
      %add3A_108 = arith.addi %add3A_60, %add3A_107 : i32
      %lt3A = arith.constant 125 : i32
      %lt3A_109 = arith.cmpi slt, %add3A_108, %lt3A : i32
      %convert_element_type3A = arith.extui %lt3A_109 : i1 to i32
      %cond3A = arith.constant 0 : i32
      %cond3A_110 = arith.cmpi ne, %convert_element_type3A, %cond3A : i32
      scf.if %cond3A_110 {
        %add3A_112 = arith.constant 2 : i32
        %add3A_113 = arith.addi %add3A_60, %add3A_112 : i32
        %mul3A_114 = arith.constant 80 : i32
        %mul3A_115 = arith.muli %add3A_113, %mul3A_114 : i32
        %dma_start3A_116 = tpu.memref_slice %arg6[%mul3A_115] : memref<10000xi32, #tpu.memory_space<vmem>> -> memref<80xi32, #tpu.memory_space<vmem>>
        %dma_start3A_117 = arith.constant 0 : i32
        %dma_start3A_118 = arith.constant 0 : i32
        %dma_start3A_119 = tpu.memref_slice %arg2[%dma_start3A_117, %dma_start3A_118] : memref<10000x128xf32, #tpu.memory_space<hbm>> -> memref<10000x128xf32, #tpu.memory_space<hbm>>
        tpu.enqueue_indirect_dma source(%dma_start3A_119 : memref<10000x128xf32, #tpu.memory_space<hbm>>) target(%arg9 : memref<80x128xf32, #tpu.memory_space<vmem>>) offsets(%dma_start3A_116 : memref<80xi32, #tpu.memory_space<vmem>>) semaphore(%arg12 : memref<!tpu.dma_semaphore, #tpu.memory_space<semaphore_mem>>)
      } else {
      }
      %scan3A_111 = arith.constant 0 : i32
      scf.yield %scan3A_111 : i32
    }
    %scan3A_42 = arith.constant 62 : i32
    %dma_wait3A_43 = arith.constant 0 : i32
    %dma_wait3A_44 = arith.constant 0 : i32
    %dma_wait3A_45 = tpu.memref_slice %arg7[%dma_wait3A_43, %dma_wait3A_44] : memref<125x80xi32, #tpu.memory_space<vmem>> -> memref<1x80xi32, #tpu.memory_space<vmem>>
    %dma_wait3A_46 = tpu.memref_squeeze %dma_wait3A_45 : memref<1x80xi32, #tpu.memory_space<vmem>> -> memref<80xi32, #tpu.memory_space<vmem>>
    %dma_wait3A_47 = arith.constant 0 : i32
    %dma_wait3A_48 = arith.constant 0 : i32
    %dma_wait3A_49 = tpu.memref_slice %arg10[%dma_wait3A_47, %dma_wait3A_48] : memref<10240x128xf32, #tpu.memory_space<vmem_shared>> -> memref<10240x128xf32, #tpu.memory_space<vmem_shared>>
    tpu.wait_indirect_dma semaphore(%arg13 : memref<!tpu.dma_semaphore, #tpu.memory_space<semaphore_mem>>) src(%arg8 : memref<80x128xf32, #tpu.memory_space<vmem>>) dst(%dma_wait3A_49 : memref<10240x128xf32, #tpu.memory_space<vmem_shared>>)
    %barrier3A_50 = arith.constant 0 : index
    tpu.barrier barrier_id(%barrier3A_50)
    %mul3A_51 = arith.constant 640 : i32
    %mul3A_52 = arith.muli %arg1, %mul3A_51 : i32
    %mul3A_53 = arith.constant 640 : i32
    %mul3A_54 = arith.muli %arg1, %mul3A_53 : i32
    "tpu.region"() ({
      %run_scoped3A = tpu.sem_alloc : memref<!tpu.dma_semaphore, #tpu.memory_space<semaphore_mem>>
      %dma_start3A_55 = arith.constant 0 : i32
      %dma_start3A_56 = tpu.memref_slice %arg5[%arg0, %mul3A_54, %dma_start3A_55] : memref<2x10240x128xf32, #tpu.memory_space<hbm>> -> memref<1x640x128xf32, #tpu.memory_space<hbm>>
      %dma_start3A_57 = tpu.memref_squeeze %dma_start3A_56 : memref<1x640x128xf32, #tpu.memory_space<hbm>> -> memref<640x128xf32, #tpu.memory_space<hbm>>
      %dma_start3A_58 = arith.constant 0 : i32
      %dma_start3A_59 = tpu.memref_slice %arg10[%mul3A_52, %dma_start3A_58] : memref<10240x128xf32, #tpu.memory_space<vmem_shared>> -> memref<640x128xf32, #tpu.memory_space<vmem_shared>>
      tpu.enqueue_dma source(%dma_start3A_59 : memref<640x128xf32, #tpu.memory_space<vmem_shared>>) target(%dma_start3A_57 : memref<640x128xf32, #tpu.memory_space<hbm>>) target_semaphore(%run_scoped3A : memref<!tpu.dma_semaphore, #tpu.memory_space<semaphore_mem>>)
      %dma_wait3A_60 = arith.constant 0 : i32
      %dma_wait3A_61 = tpu.memref_slice %arg5[%arg0, %mul3A_54, %dma_wait3A_60] : memref<2x10240x128xf32, #tpu.memory_space<hbm>> -> memref<1x640x128xf32, #tpu.memory_space<hbm>>
      %dma_wait3A_62 = tpu.memref_squeeze %dma_wait3A_61 : memref<1x640x128xf32, #tpu.memory_space<hbm>> -> memref<640x128xf32, #tpu.memory_space<hbm>>
      %dma_wait3A_63 = arith.constant 0 : i32
      %dma_wait3A_64 = tpu.memref_slice %arg10[%mul3A_52, %dma_wait3A_63] : memref<10240x128xf32, #tpu.memory_space<vmem_shared>> -> memref<640x128xf32, #tpu.memory_space<vmem_shared>>
      tpu.wait_dma2 semaphore(%run_scoped3A : memref<!tpu.dma_semaphore, #tpu.memory_space<semaphore_mem>>) src(%dma_wait3A_64 : memref<640x128xf32, #tpu.memory_space<vmem_shared>>) dst(%dma_wait3A_62 : memref<640x128xf32, #tpu.memory_space<hbm>>)
      tpu.yield
    }) : () -> ()
    return
  }
}

#map = affine_map<(d0, d1) -> (0, 0)>
#map1 = affine_map<(d0, d1) -> (0)>
#map2 = affine_map<(d0, d1) -> (0, 0, 0)>
module attributes {stable_mosaic.version = 14 : i64} {
  func.func @_scat_body(%arg0: i32, %arg1: i32, %arg2: memref<10000x128xf32, #tpu.memory_space<hbm>>, %arg3: memref<320000xi32, #tpu.memory_space<hbm>>, %arg4: memref<32x125x80xi32, #tpu.memory_space<hbm>>, %arg5: memref<2x10240x128xf32, #tpu.memory_space<hbm>>, %arg6: memref<10000xi32, #tpu.memory_space<vmem>>, %arg7: memref<125x80xi32, #tpu.memory_space<vmem>>, %arg8: memref<80x128xf32, #tpu.memory_space<vmem>>, %arg9: memref<80x128xf32, #tpu.memory_space<vmem>>, %arg10: memref<10240x128xf32, #tpu.memory_space<vmem_shared>>, %arg11: memref<!tpu.dma_semaphore, #tpu.memory_space<semaphore_mem>>, %arg12: memref<!tpu.dma_semaphore, #tpu.memory_space<semaphore_mem>>, %arg13: memref<!tpu.dma_semaphore, #tpu.memory_space<semaphore_mem>>, %arg14: memref<!tpu.dma_semaphore, #tpu.memory_space<semaphore_mem>>) attributes {dimension_semantics = [#tpu.dimension_semantics<core_parallel>, #tpu.dimension_semantics<subcore_parallel>], iteration_bounds = array<i64: 2, 16>, scalar_prefetch = 0 : i64, scratch_operands = 9 : i64, tpu.core_type = #tpu.core_type<sc_vector_subcore>, window_params = [{transform_indices = #map}, {transform_indices = #map1}, {transform_indices = #map2}, {transform_indices = #map2}]} {
    %mul3A = arith.constant 2 : i32
    %mul3A_0 = arith.muli %arg1, %mul3A : i32
    %add3A = arith.addi %mul3A_0, %arg0 : i32
    %mul3A_1 = arith.constant 10000 : i32
    %mul3A_2 = arith.muli %add3A, %mul3A_1 : i32
    "tpu.region"() ({
      %run_scoped3A = tpu.sem_alloc : memref<!tpu.dma_semaphore, #tpu.memory_space<semaphore_mem>>
      %dma_start3A_55 = tpu.memref_slice %arg3[%mul3A_2] : memref<320000xi32, #tpu.memory_space<hbm>> -> memref<10000xi32, #tpu.memory_space<hbm>>
      %dma_start3A_56 = tpu.memref_slice %arg3[%mul3A_2] : memref<320000xi32, #tpu.memory_space<hbm>> -> memref<10000xi32, #tpu.memory_space<hbm>>
      tpu.enqueue_dma source(%dma_start3A_56 : memref<10000xi32, #tpu.memory_space<hbm>>) target(%arg6 : memref<10000xi32, #tpu.memory_space<vmem>>) target_semaphore(%run_scoped3A : memref<!tpu.dma_semaphore, #tpu.memory_space<semaphore_mem>>)
      %dma_wait3A_57 = tpu.memref_slice %arg3[%mul3A_2] : memref<320000xi32, #tpu.memory_space<hbm>> -> memref<10000xi32, #tpu.memory_space<hbm>>
      %dma_wait3A_58 = tpu.memref_slice %arg3[%mul3A_2] : memref<320000xi32, #tpu.memory_space<hbm>> -> memref<10000xi32, #tpu.memory_space<hbm>>
      tpu.wait_dma2 semaphore(%run_scoped3A : memref<!tpu.dma_semaphore, #tpu.memory_space<semaphore_mem>>) src(%dma_wait3A_58 : memref<10000xi32, #tpu.memory_space<hbm>>) dst(%arg6 : memref<10000xi32, #tpu.memory_space<vmem>>)
      tpu.yield
    }) : () -> ()
    "tpu.region"() ({
      %run_scoped3A = tpu.sem_alloc : memref<!tpu.dma_semaphore, #tpu.memory_space<semaphore_mem>>
      %dma_start3A_55 = arith.constant 0 : i32
      %dma_start3A_56 = arith.constant 0 : i32
      %dma_start3A_57 = tpu.memref_slice %arg4[%add3A, %dma_start3A_55, %dma_start3A_56] : memref<32x125x80xi32, #tpu.memory_space<hbm>> -> memref<1x125x80xi32, #tpu.memory_space<hbm>>
      %dma_start3A_58 = tpu.memref_squeeze %dma_start3A_57 : memref<1x125x80xi32, #tpu.memory_space<hbm>> -> memref<125x80xi32, #tpu.memory_space<hbm>>
      %dma_start3A_59 = arith.constant 0 : i32
      %dma_start3A_60 = arith.constant 0 : i32
      %dma_start3A_61 = tpu.memref_slice %arg4[%add3A, %dma_start3A_59, %dma_start3A_60] : memref<32x125x80xi32, #tpu.memory_space<hbm>> -> memref<1x125x80xi32, #tpu.memory_space<hbm>>
      %dma_start3A_62 = tpu.memref_squeeze %dma_start3A_61 : memref<1x125x80xi32, #tpu.memory_space<hbm>> -> memref<125x80xi32, #tpu.memory_space<hbm>>
      tpu.enqueue_dma source(%dma_start3A_62 : memref<125x80xi32, #tpu.memory_space<hbm>>) target(%arg7 : memref<125x80xi32, #tpu.memory_space<vmem>>) target_semaphore(%run_scoped3A : memref<!tpu.dma_semaphore, #tpu.memory_space<semaphore_mem>>)
      %dma_wait3A_63 = arith.constant 0 : i32
      %dma_wait3A_64 = arith.constant 0 : i32
      %dma_wait3A_65 = tpu.memref_slice %arg4[%add3A, %dma_wait3A_63, %dma_wait3A_64] : memref<32x125x80xi32, #tpu.memory_space<hbm>> -> memref<1x125x80xi32, #tpu.memory_space<hbm>>
      %dma_wait3A_66 = tpu.memref_squeeze %dma_wait3A_65 : memref<1x125x80xi32, #tpu.memory_space<hbm>> -> memref<125x80xi32, #tpu.memory_space<hbm>>
      %dma_wait3A_67 = arith.constant 0 : i32
      %dma_wait3A_68 = arith.constant 0 : i32
      %dma_wait3A_69 = tpu.memref_slice %arg4[%add3A, %dma_wait3A_67, %dma_wait3A_68] : memref<32x125x80xi32, #tpu.memory_space<hbm>> -> memref<1x125x80xi32, #tpu.memory_space<hbm>>
      %dma_wait3A_70 = tpu.memref_squeeze %dma_wait3A_69 : memref<1x125x80xi32, #tpu.memory_space<hbm>> -> memref<125x80xi32, #tpu.memory_space<hbm>>
      tpu.wait_dma2 semaphore(%run_scoped3A : memref<!tpu.dma_semaphore, #tpu.memory_space<semaphore_mem>>) src(%dma_wait3A_70 : memref<125x80xi32, #tpu.memory_space<hbm>>) dst(%arg7 : memref<125x80xi32, #tpu.memory_space<vmem>>)
      tpu.yield
    }) : () -> ()
    %scan3A = arith.constant 0 : i32
    %scan3A_3 = arith.constant 0 : i32
    %scan3A_4 = arith.constant 640 : i32
    %scan3A_5 = arith.addi %scan3A_3, %scan3A_4 : i32
    %scan3A_6 = arith.constant 1 : i32
    %scan3A_7 = scf.for %scan3A_55 = %scan3A_3 to %scan3A_5 step %scan3A_6 iter_args(%scan3A_56 = %scan3A) -> (i32)  : i32 {
      %broadcast_in_dim3A = arith.constant 0.000000e+00 : f32
      %broadcast_in_dim3A_57 = vector.broadcast %broadcast_in_dim3A : f32 to vector<16xf32>
      %jit3A = arith.constant 8 : i32
      %div3A = arith.divsi %scan3A_55, %jit3A : i32
      %sign3A = arith.constant 0 : i32
      %sign3A_58 = arith.cmpi sgt, %scan3A_55, %sign3A : i32
      %sign3A_59 = arith.extui %sign3A_58 : i1 to i32
      %sign3A_60 = arith.constant 0 : i32
      %sign3A_61 = arith.cmpi slt, %scan3A_55, %sign3A_60 : i32
      %sign3A_62 = arith.extui %sign3A_61 : i1 to i32
      %sign3A_63 = arith.subi %sign3A_59, %sign3A_62 : i32
      %sign3A_64 = arith.constant 0 : i32
      %sign3A_65 = arith.cmpi sgt, %jit3A, %sign3A_64 : i32
      %sign3A_66 = arith.extui %sign3A_65 : i1 to i32
      %sign3A_67 = arith.constant 0 : i32
      %sign3A_68 = arith.cmpi slt, %jit3A, %sign3A_67 : i32
      %sign3A_69 = arith.extui %sign3A_68 : i1 to i32
      %sign3A_70 = arith.subi %sign3A_66, %sign3A_69 : i32
      %ne3A = arith.cmpi ne, %sign3A_63, %sign3A_70 : i32
      %rem3A = arith.remsi %scan3A_55, %jit3A : i32
      %ne3A_71 = arith.constant 0 : i32
      %ne3A_72 = arith.cmpi ne, %rem3A, %ne3A_71 : i32
      %and3A = arith.andi %ne3A, %ne3A_72 : i1
      %sub3A = arith.constant 1 : i32
      %sub3A_73 = arith.subi %div3A, %sub3A : i32
      %select_n3A = arith.select %and3A, %sub3A_73, %div3A : i32
      %jit3A_74 = arith.constant 8 : i32
      %eq3A = arith.constant 0 : i32
      %eq3A_75 = arith.cmpi eq, %jit3A_74, %eq3A : i32
      %jit3A_76 = arith.constant 1 : i32
      %select_n3A_77 = arith.select %eq3A_75, %jit3A_76, %jit3A_74 : i32
      %rem3A_78 = arith.remsi %scan3A_55, %select_n3A_77 : i32
      %ne3A_79 = arith.constant 0 : i32
      %ne3A_80 = arith.cmpi ne, %rem3A_78, %ne3A_79 : i32
      %lt3A = arith.constant 0 : i32
      %lt3A_81 = arith.cmpi slt, %rem3A_78, %lt3A : i32
      %lt3A_82 = arith.constant 0 : i32
      %lt3A_83 = arith.cmpi slt, %select_n3A_77, %lt3A_82 : i32
      %ne3A_84 = arith.xori %lt3A_81, %lt3A_83 : i1
      %and3A_85 = arith.andi %ne3A_84, %ne3A_80 : i1
      %add3A_86 = arith.addi %rem3A_78, %select_n3A_77 : i32
      %select_n3A_87 = arith.select %and3A_85, %add3A_86, %rem3A_78 : i32
      %mul3A_88 = arith.constant 16 : i32
      %mul3A_89 = arith.muli %select_n3A_87, %mul3A_88 : i32
      %swap3A = arith.index_cast %select_n3A : i32 to index
      %swap3A_90 = arith.index_cast %mul3A_89 : i32 to index
      %swap3A_91 = tpu.vector_load %arg8[%swap3A, %swap3A_90] {strides = array<i32>} : memref<80x128xf32, #tpu.memory_space<vmem>>, vector<16xf32>,
      tpu.vector_store %arg8[%swap3A, %swap3A_90], %broadcast_in_dim3A_57 {strides = array<i32>} : memref<80x128xf32, #tpu.memory_space<vmem>>, vector<16xf32>,
      %scan3A_92 = arith.constant 0 : i32
      scf.yield %scan3A_92 : i32
    }
    %scan3A_8 = arith.constant 640 : i32
    %scan3A_9 = arith.constant 0 : i32
    %scan3A_10 = arith.constant 0 : i32
    %scan3A_11 = arith.constant 8 : i32
    %scan3A_12 = arith.addi %scan3A_10, %scan3A_11 : i32
    %scan3A_13 = arith.constant 1 : i32
    %scan3A_14 = scf.for %scan3A_55 = %scan3A_10 to %scan3A_12 step %scan3A_13 iter_args(%scan3A_56 = %scan3A_9) -> (i32)  : i32 {
      %mul3A_57 = arith.constant 640 : i32
      %mul3A_58 = arith.muli %arg1, %mul3A_57 : i32
      %mul3A_59 = arith.constant 80 : i32
      %mul3A_60 = arith.muli %scan3A_55, %mul3A_59 : i32
      %add3A_61 = arith.addi %mul3A_58, %mul3A_60 : i32
      "tpu.region"() ({
        %run_scoped3A = tpu.sem_alloc : memref<!tpu.dma_semaphore, #tpu.memory_space<semaphore_mem>>
        %dma_start3A_63 = arith.constant 0 : i32
        %dma_start3A_64 = tpu.memref_slice %arg10[%add3A_61, %dma_start3A_63] : memref<10240x128xf32, #tpu.memory_space<vmem_shared>> -> memref<80x128xf32, #tpu.memory_space<vmem_shared>>
        %dma_start3A_65 = arith.constant 0 : i32
        %dma_start3A_66 = tpu.memref_slice %arg10[%add3A_61, %dma_start3A_65] : memref<10240x128xf32, #tpu.memory_space<vmem_shared>> -> memref<80x128xf32, #tpu.memory_space<vmem_shared>>
        tpu.enqueue_dma source(%arg8 : memref<80x128xf32, #tpu.memory_space<vmem>>) target(%dma_start3A_66 : memref<80x128xf32, #tpu.memory_space<vmem_shared>>) target_semaphore(%run_scoped3A : memref<!tpu.dma_semaphore, #tpu.memory_space<semaphore_mem>>)
        %dma_wait3A_67 = arith.constant 0 : i32
        %dma_wait3A_68 = tpu.memref_slice %arg10[%add3A_61, %dma_wait3A_67] : memref<10240x128xf32, #tpu.memory_space<vmem_shared>> -> memref<80x128xf32, #tpu.memory_space<vmem_shared>>
        %dma_wait3A_69 = arith.constant 0 : i32
        %dma_wait3A_70 = tpu.memref_slice %arg10[%add3A_61, %dma_wait3A_69] : memref<10240x128xf32, #tpu.memory_space<vmem_shared>> -> memref<80x128xf32, #tpu.memory_space<vmem_shared>>
        tpu.wait_dma2 semaphore(%run_scoped3A : memref<!tpu.dma_semaphore, #tpu.memory_space<semaphore_mem>>) src(%arg8 : memref<80x128xf32, #tpu.memory_space<vmem>>) dst(%dma_wait3A_70 : memref<80x128xf32, #tpu.memory_space<vmem_shared>>)
        tpu.yield
      }) : () -> ()
      %scan3A_62 = arith.constant 0 : i32
      scf.yield %scan3A_62 : i32
    }
    %scan3A_15 = arith.constant 8 : i32
    %barrier3A = arith.constant 0 : index
    tpu.barrier barrier_id(%barrier3A)
    %dma_start3A = arith.constant 0 : i32
    %dma_start3A_16 = tpu.memref_slice %arg6[%dma_start3A] : memref<10000xi32, #tpu.memory_space<vmem>> -> memref<80xi32, #tpu.memory_space<vmem>>
    %dma_start3A_17 = arith.constant 0 : i32
    %dma_start3A_18 = arith.constant 0 : i32
    %dma_start3A_19 = tpu.memref_slice %arg2[%dma_start3A_17, %dma_start3A_18] : memref<10000x128xf32, #tpu.memory_space<hbm>> -> memref<10000x128xf32, #tpu.memory_space<hbm>>
    tpu.enqueue_indirect_dma source(%dma_start3A_19 : memref<10000x128xf32, #tpu.memory_space<hbm>>) target(%arg8 : memref<80x128xf32, #tpu.memory_space<vmem>>) offsets(%dma_start3A_16 : memref<80xi32, #tpu.memory_space<vmem>>) semaphore(%arg11 : memref<!tpu.dma_semaphore, #tpu.memory_space<semaphore_mem>>)
    %dma_start3A_20 = arith.constant 80 : i32
    %dma_start3A_21 = tpu.memref_slice %arg6[%dma_start3A_20] : memref<10000xi32, #tpu.memory_space<vmem>> -> memref<80xi32, #tpu.memory_space<vmem>>
    %dma_start3A_22 = arith.constant 0 : i32
    %dma_start3A_23 = arith.constant 0 : i32
    %dma_start3A_24 = tpu.memref_slice %arg2[%dma_start3A_22, %dma_start3A_23] : memref<10000x128xf32, #tpu.memory_space<hbm>> -> memref<10000x128xf32, #tpu.memory_space<hbm>>
    tpu.enqueue_indirect_dma source(%dma_start3A_24 : memref<10000x128xf32, #tpu.memory_space<hbm>>) target(%arg9 : memref<80x128xf32, #tpu.memory_space<vmem>>) offsets(%dma_start3A_21 : memref<80xi32, #tpu.memory_space<vmem>>) semaphore(%arg12 : memref<!tpu.dma_semaphore, #tpu.memory_space<semaphore_mem>>)
    %dma_wait3A = arith.constant 0 : i32
    %dma_wait3A_25 = tpu.memref_slice %arg6[%dma_wait3A] : memref<10000xi32, #tpu.memory_space<vmem>> -> memref<80xi32, #tpu.memory_space<vmem>>
    %dma_wait3A_26 = arith.constant 0 : i32
    %dma_wait3A_27 = arith.constant 0 : i32
    %dma_wait3A_28 = tpu.memref_slice %arg2[%dma_wait3A_26, %dma_wait3A_27] : memref<10000x128xf32, #tpu.memory_space<hbm>> -> memref<10000x128xf32, #tpu.memory_space<hbm>>
    tpu.wait_indirect_dma semaphore(%arg11 : memref<!tpu.dma_semaphore, #tpu.memory_space<semaphore_mem>>) src(%dma_wait3A_28 : memref<10000x128xf32, #tpu.memory_space<hbm>>) dst(%arg8 : memref<80x128xf32, #tpu.memory_space<vmem>>)
    %dma_start3A_29 = arith.constant 0 : i32
    %dma_start3A_30 = arith.constant 0 : i32
    %dma_start3A_31 = tpu.memref_slice %arg7[%dma_start3A_29, %dma_start3A_30] : memref<125x80xi32, #tpu.memory_space<vmem>> -> memref<1x80xi32, #tpu.memory_space<vmem>>
    %dma_start3A_32 = tpu.memref_squeeze %dma_start3A_31 : memref<1x80xi32, #tpu.memory_space<vmem>> -> memref<80xi32, #tpu.memory_space<vmem>>
    %dma_start3A_33 = arith.constant 0 : i32
    %dma_start3A_34 = arith.constant 0 : i32
    %dma_start3A_35 = tpu.memref_slice %arg10[%dma_start3A_33, %dma_start3A_34] : memref<10240x128xf32, #tpu.memory_space<vmem_shared>> -> memref<10240x128xf32, #tpu.memory_space<vmem_shared>>
    tpu.enqueue_indirect_dma source(%arg8 : memref<80x128xf32, #tpu.memory_space<vmem>>) target(%dma_start3A_35 : memref<10240x128xf32, #tpu.memory_space<vmem_shared>>) offsets(%dma_start3A_32 : memref<80xi32, #tpu.memory_space<vmem>>) semaphore(%arg13 : memref<!tpu.dma_semaphore, #tpu.memory_space<semaphore_mem>>) {add = true}
    %scan3A_36 = arith.constant 0 : i32
    %scan3A_37 = arith.constant 0 : i32
    %scan3A_38 = arith.constant 62 : i32
    %scan3A_39 = arith.addi %scan3A_37, %scan3A_38 : i32
    %scan3A_40 = arith.constant 1 : i32
    %scan3A_41 = scf.for %scan3A_55 = %scan3A_37 to %scan3A_39 step %scan3A_40 iter_args(%scan3A_56 = %scan3A_36) -> (i32)  : i32 {
      %mul3A_57 = arith.constant 2 : i32
      %mul3A_58 = arith.muli %mul3A_57, %scan3A_55 : i32
      %add3A_59 = arith.constant 1 : i32
      %add3A_60 = arith.addi %mul3A_58, %add3A_59 : i32
      %dma_wait3A_61 = arith.constant 0 : i32
      %dma_wait3A_62 = tpu.memref_slice %arg6[%dma_wait3A_61] : memref<10000xi32, #tpu.memory_space<vmem>> -> memref<80xi32, #tpu.memory_space<vmem>>
      %dma_wait3A_63 = arith.constant 0 : i32
      %dma_wait3A_64 = arith.constant 0 : i32
      %dma_wait3A_65 = tpu.memref_slice %arg2[%dma_wait3A_63, %dma_wait3A_64] : memref<10000x128xf32, #tpu.memory_space<hbm>> -> memref<10000x128xf32, #tpu.memory_space<hbm>>
      tpu.wait_indirect_dma semaphore(%arg12 : memref<!tpu.dma_semaphore, #tpu.memory_space<semaphore_mem>>) src(%dma_wait3A_65 : memref<10000x128xf32, #tpu.memory_space<hbm>>) dst(%arg9 : memref<80x128xf32, #tpu.memory_space<vmem>>)
      %dma_start3A_66 = arith.constant 0 : i32
      %dma_start3A_67 = tpu.memref_slice %arg7[%add3A_60, %dma_start3A_66] : memref<125x80xi32, #tpu.memory_space<vmem>> -> memref<1x80xi32, #tpu.memory_space<vmem>>
      %dma_start3A_68 = tpu.memref_squeeze %dma_start3A_67 : memref<1x80xi32, #tpu.memory_space<vmem>> -> memref<80xi32, #tpu.memory_space<vmem>>
      %dma_start3A_69 = arith.constant 0 : i32
      %dma_start3A_70 = arith.constant 0 : i32
      %dma_start3A_71 = tpu.memref_slice %arg10[%dma_start3A_69, %dma_start3A_70] : memref<10240x128xf32, #tpu.memory_space<vmem_shared>> -> memref<10240x128xf32, #tpu.memory_space<vmem_shared>>
      tpu.enqueue_indirect_dma source(%arg9 : memref<80x128xf32, #tpu.memory_space<vmem>>) target(%dma_start3A_71 : memref<10240x128xf32, #tpu.memory_space<vmem_shared>>) offsets(%dma_start3A_68 : memref<80xi32, #tpu.memory_space<vmem>>) semaphore(%arg14 : memref<!tpu.dma_semaphore, #tpu.memory_space<semaphore_mem>>) {add = true}
      %dma_wait3A_72 = arith.constant 0 : i32
      %dma_wait3A_73 = arith.constant 0 : i32
      %dma_wait3A_74 = tpu.memref_slice %arg7[%dma_wait3A_72, %dma_wait3A_73] : memref<125x80xi32, #tpu.memory_space<vmem>> -> memref<1x80xi32, #tpu.memory_space<vmem>>
      %dma_wait3A_75 = tpu.memref_squeeze %dma_wait3A_74 : memref<1x80xi32, #tpu.memory_space<vmem>> -> memref<80xi32, #tpu.memory_space<vmem>>
      %dma_wait3A_76 = arith.constant 0 : i32
      %dma_wait3A_77 = arith.constant 0 : i32
      %dma_wait3A_78 = tpu.memref_slice %arg10[%dma_wait3A_76, %dma_wait3A_77] : memref<10240x128xf32, #tpu.memory_space<vmem_shared>> -> memref<10240x128xf32, #tpu.memory_space<vmem_shared>>
      tpu.wait_indirect_dma semaphore(%arg13 : memref<!tpu.dma_semaphore, #tpu.memory_space<semaphore_mem>>) src(%arg8 : memref<80x128xf32, #tpu.memory_space<vmem>>) dst(%dma_wait3A_78 : memref<10240x128xf32, #tpu.memory_space<vmem_shared>>)
      %add3A_79 = arith.constant 1 : i32
      %add3A_80 = arith.addi %add3A_60, %add3A_79 : i32
      %mul3A_81 = arith.constant 80 : i32
      %mul3A_82 = arith.muli %add3A_80, %mul3A_81 : i32
      %dma_start3A_83 = tpu.memref_slice %arg6[%mul3A_82] : memref<10000xi32, #tpu.memory_space<vmem>> -> memref<80xi32, #tpu.memory_space<vmem>>
      %dma_start3A_84 = arith.constant 0 : i32
      %dma_start3A_85 = arith.constant 0 : i32
      %dma_start3A_86 = tpu.memref_slice %arg2[%dma_start3A_84, %dma_start3A_85] : memref<10000x128xf32, #tpu.memory_space<hbm>> -> memref<10000x128xf32, #tpu.memory_space<hbm>>
      tpu.enqueue_indirect_dma source(%dma_start3A_86 : memref<10000x128xf32, #tpu.memory_space<hbm>>) target(%arg8 : memref<80x128xf32, #tpu.memory_space<vmem>>) offsets(%dma_start3A_83 : memref<80xi32, #tpu.memory_space<vmem>>) semaphore(%arg11 : memref<!tpu.dma_semaphore, #tpu.memory_space<semaphore_mem>>)
      %dma_wait3A_87 = arith.constant 0 : i32
      %dma_wait3A_88 = tpu.memref_slice %arg6[%dma_wait3A_87] : memref<10000xi32, #tpu.memory_space<vmem>> -> memref<80xi32, #tpu.memory_space<vmem>>
      %dma_wait3A_89 = arith.constant 0 : i32
      %dma_wait3A_90 = arith.constant 0 : i32
      %dma_wait3A_91 = tpu.memref_slice %arg2[%dma_wait3A_89, %dma_wait3A_90] : memref<10000x128xf32, #tpu.memory_space<hbm>> -> memref<10000x128xf32, #tpu.memory_space<hbm>>
      tpu.wait_indirect_dma semaphore(%arg11 : memref<!tpu.dma_semaphore, #tpu.memory_space<semaphore_mem>>) src(%dma_wait3A_91 : memref<10000x128xf32, #tpu.memory_space<hbm>>) dst(%arg8 : memref<80x128xf32, #tpu.memory_space<vmem>>)
      %add3A_92 = arith.constant 1 : i32
      %add3A_93 = arith.addi %add3A_60, %add3A_92 : i32
      %dma_start3A_94 = arith.constant 0 : i32
      %dma_start3A_95 = tpu.memref_slice %arg7[%add3A_93, %dma_start3A_94] : memref<125x80xi32, #tpu.memory_space<vmem>> -> memref<1x80xi32, #tpu.memory_space<vmem>>
      %dma_start3A_96 = tpu.memref_squeeze %dma_start3A_95 : memref<1x80xi32, #tpu.memory_space<vmem>> -> memref<80xi32, #tpu.memory_space<vmem>>
      %dma_start3A_97 = arith.constant 0 : i32
      %dma_start3A_98 = arith.constant 0 : i32
      %dma_start3A_99 = tpu.memref_slice %arg10[%dma_start3A_97, %dma_start3A_98] : memref<10240x128xf32, #tpu.memory_space<vmem_shared>> -> memref<10240x128xf32, #tpu.memory_space<vmem_shared>>
      tpu.enqueue_indirect_dma source(%arg8 : memref<80x128xf32, #tpu.memory_space<vmem>>) target(%dma_start3A_99 : memref<10240x128xf32, #tpu.memory_space<vmem_shared>>) offsets(%dma_start3A_96 : memref<80xi32, #tpu.memory_space<vmem>>) semaphore(%arg13 : memref<!tpu.dma_semaphore, #tpu.memory_space<semaphore_mem>>) {add = true}
      %dma_wait3A_100 = arith.constant 0 : i32
      %dma_wait3A_101 = arith.constant 0 : i32
      %dma_wait3A_102 = tpu.memref_slice %arg7[%dma_wait3A_100, %dma_wait3A_101] : memref<125x80xi32, #tpu.memory_space<vmem>> -> memref<1x80xi32, #tpu.memory_space<vmem>>
      %dma_wait3A_103 = tpu.memref_squeeze %dma_wait3A_102 : memref<1x80xi32, #tpu.memory_space<vmem>> -> memref<80xi32, #tpu.memory_space<vmem>>
      %dma_wait3A_104 = arith.constant 0 : i32
      %dma_wait3A_105 = arith.constant 0 : i32
      %dma_wait3A_106 = tpu.memref_slice %arg10[%dma_wait3A_104, %dma_wait3A_105] : memref<10240x128xf32, #tpu.memory_space<vmem_shared>> -> memref<10240x128xf32, #tpu.memory_space<vmem_shared>>
      tpu.wait_indirect_dma semaphore(%arg14 : memref<!tpu.dma_semaphore, #tpu.memory_space<semaphore_mem>>) src(%arg9 : memref<80x128xf32, #tpu.memory_space<vmem>>) dst(%dma_wait3A_106 : memref<10240x128xf32, #tpu.memory_space<vmem_shared>>)
      %add3A_107 = arith.constant 2 : i32
      %add3A_108 = arith.addi %add3A_60, %add3A_107 : i32
      %lt3A = arith.constant 125 : i32
      %lt3A_109 = arith.cmpi slt, %add3A_108, %lt3A : i32
      %convert_element_type3A = arith.extui %lt3A_109 : i1 to i32
      %cond3A = arith.constant 0 : i32
      %cond3A_110 = arith.cmpi ne, %convert_element_type3A, %cond3A : i32
      scf.if %cond3A_110 {
        %add3A_112 = arith.constant 2 : i32
        %add3A_113 = arith.addi %add3A_60, %add3A_112 : i32
        %mul3A_114 = arith.constant 80 : i32
        %mul3A_115 = arith.muli %add3A_113, %mul3A_114 : i32
        %dma_start3A_116 = tpu.memref_slice %arg6[%mul3A_115] : memref<10000xi32, #tpu.memory_space<vmem>> -> memref<80xi32, #tpu.memory_space<vmem>>
        %dma_start3A_117 = arith.constant 0 : i32
        %dma_start3A_118 = arith.constant 0 : i32
        %dma_start3A_119 = tpu.memref_slice %arg2[%dma_start3A_117, %dma_start3A_118] : memref<10000x128xf32, #tpu.memory_space<hbm>> -> memref<10000x128xf32, #tpu.memory_space<hbm>>
        tpu.enqueue_indirect_dma source(%dma_start3A_119 : memref<10000x128xf32, #tpu.memory_space<hbm>>) target(%arg9 : memref<80x128xf32, #tpu.memory_space<vmem>>) offsets(%dma_start3A_116 : memref<80xi32, #tpu.memory_space<vmem>>) semaphore(%arg12 : memref<!tpu.dma_semaphore, #tpu.memory_space<semaphore_mem>>)
      } else {
      }
      %scan3A_111 = arith.constant 0 : i32
      scf.yield %scan3A_111 : i32
    }
    %scan3A_42 = arith.constant 62 : i32
    %dma_wait3A_43 = arith.constant 0 : i32
    %dma_wait3A_44 = arith.constant 0 : i32
    %dma_wait3A_45 = tpu.memref_slice %arg7[%dma_wait3A_43, %dma_wait3A_44] : memref<125x80xi32, #tpu.memory_space<vmem>> -> memref<1x80xi32, #tpu.memory_space<vmem>>
    %dma_wait3A_46 = tpu.memref_squeeze %dma_wait3A_45 : memref<1x80xi32, #tpu.memory_space<vmem>> -> memref<80xi32, #tpu.memory_space<vmem>>
    %dma_wait3A_47 = arith.constant 0 : i32
    %dma_wait3A_48 = arith.constant 0 : i32
    %dma_wait3A_49 = tpu.memref_slice %arg10[%dma_wait3A_47, %dma_wait3A_48] : memref<10240x128xf32, #tpu.memory_space<vmem_shared>> -> memref<10240x128xf32, #tpu.memory_space<vmem_shared>>
    tpu.wait_indirect_dma semaphore(%arg13 : memref<!tpu.dma_semaphore, #tpu.memory_space<semaphore_mem>>) src(%arg8 : memref<80x128xf32, #tpu.memory_space<vmem>>) dst(%dma_wait3A_49 : memref<10240x128xf32, #tpu.memory_space<vmem_shared>>)
    %barrier3A_50 = arith.constant 0 : index
    tpu.barrier barrier_id(%barrier3A_50)
    %mul3A_51 = arith.constant 640 : i32
    %mul3A_52 = arith.muli %arg1, %mul3A_51 : i32
    %mul3A_53 = arith.constant 640 : i32
    %mul3A_54 = arith.muli %arg1, %mul3A_53 : i32
    "tpu.region"() ({
      %run_scoped3A = tpu.sem_alloc : memref<!tpu.dma_semaphore, #tpu.memory_space<semaphore_mem>>
      %dma_start3A_55 = arith.constant 0 : i32
      %dma_start3A_56 = tpu.memref_slice %arg5[%arg0, %mul3A_54, %dma_start3A_55] : memref<2x10240x128xf32, #tpu.memory_space<hbm>> -> memref<1x640x128xf32, #tpu.memory_space<hbm>>
      %dma_start3A_57 = tpu.memref_squeeze %dma_start3A_56 : memref<1x640x128xf32, #tpu.memory_space<hbm>> -> memref<640x128xf32, #tpu.memory_space<hbm>>
      %dma_start3A_58 = arith.constant 0 : i32
      %dma_start3A_59 = tpu.memref_slice %arg10[%mul3A_52, %dma_start3A_58] : memref<10240x128xf32, #tpu.memory_space<vmem_shared>> -> memref<640x128xf32, #tpu.memory_space<vmem_shared>>
      tpu.enqueue_dma source(%dma_start3A_59 : memref<640x128xf32, #tpu.memory_space<vmem_shared>>) target(%dma_start3A_57 : memref<640x128xf32, #tpu.memory_space<hbm>>) target_semaphore(%run_scoped3A : memref<!tpu.dma_semaphore, #tpu.memory_space<semaphore_mem>>)
      %dma_wait3A_60 = arith.constant 0 : i32
      %dma_wait3A_61 = tpu.memref_slice %arg5[%arg0, %mul3A_54, %dma_wait3A_60] : memref<2x10240x128xf32, #tpu.memory_space<hbm>> -> memref<1x640x128xf32, #tpu.memory_space<hbm>>
      %dma_wait3A_62 = tpu.memref_squeeze %dma_wait3A_61 : memref<1x640x128xf32, #tpu.memory_space<hbm>> -> memref<640x128xf32, #tpu.memory_space<hbm>>
      %dma_wait3A_63 = arith.constant 0 : i32
      %dma_wait3A_64 = tpu.memref_slice %arg10[%mul3A_52, %dma_wait3A_63] : memref<10240x128xf32, #tpu.memory_space<vmem_shared>> -> memref<640x128xf32, #tpu.memory_space<vmem_shared>>
      tpu.wait_dma2 semaphore(%run_scoped3A : memref<!tpu.dma_semaphore, #tpu.memory_space<semaphore_mem>>) src(%dma_wait3A_64 : memref<640x128xf32, #tpu.memory_space<vmem_shared>>) dst(%dma_wait3A_62 : memref<640x128xf32, #tpu.memory_space<hbm>>)
      tpu.yield
    }) : () -> ()
    return
  }
}

module attributes {stable_mosaic.version = 14 : i64} {
  func.func @_mm_kernel(%arg0: i32, %arg1: memref<1000x128xf32, #tpu.memory_space<vmem>>, %arg2: memref<128x128xf32, #tpu.memory_space<vmem>>, %arg3: memref<1000x128xf32, #tpu.memory_space<vmem>>) attributes {dimension_semantics = [#tpu.dimension_semantics<arbitrary>], iteration_bounds = array<i64: 10>, scalar_prefetch = 0 : i64, scratch_operands = 0 : i64, tpu.core_type = #tpu.core_type<tc>, window_params = [{transform_indices = @transform_0, window_bounds = array<i64: 1000, 128>}, {pipeline_mode = #tpu.pipeline_mode<synchronous>, transform_indices = @transform_1, window_bounds = array<i64: 128, 128>}, {transform_indices = @transform_2, window_bounds = array<i64: 1000, 128>}]} {
    %get3A = arith.constant 0 : index
    %get3A_0 = arith.constant 0 : index
    %get3A_1 = vector.load %arg1[%get3A, %get3A_0] : memref<1000x128xf32, #tpu.memory_space<vmem>>, vector<1000x128xf32>
    %get3A_2 = arith.constant 0 : index
    %get3A_3 = arith.constant 0 : index
    %get3A_4 = vector.load %arg2[%get3A_2, %get3A_3] : memref<128x128xf32, #tpu.memory_space<vmem>>, vector<128x128xf32>
    %dot_general3A = arith.constant dense<0.000000e+00> : vector<1000x128xf32>
    %dot_general3A_5 = tpu.matmul %get3A_1, %get3A_4, %dot_general3A {dimension_numbers = #tpu.dot_dimension_numbers<[1], [0], [0], [1], [0, 0, 1, 1], [], []>, precision = #tpu.contract_precision<fp32>, transpose_lhs_hint = false} : vector<1000x128xf32>, vector<128x128xf32>, vector<1000x128xf32> -> vector<1000x128xf32>
    %swap3A = arith.constant 0 : index
    %swap3A_6 = arith.constant 0 : index
    %swap3A_7 = vector.load %arg3[%swap3A, %swap3A_6] : memref<1000x128xf32, #tpu.memory_space<vmem>>, vector<1000x128xf32>
    tpu.vector_store %arg3[%swap3A, %swap3A_6], %dot_general3A_5 {strides = array<i32>} : memref<1000x128xf32, #tpu.memory_space<vmem>>, vector<1000x128xf32>,
    return
  }
  func.func @transform_0(%arg0: i32) -> (i32, i32) {
    %c0_i32 = arith.constant 0 : i32
    %c0_i32_0 = arith.constant 0 : i32
    return %arg0, %c0_i32 : i32, i32
  }
  func.func @transform_1(%arg0: i32) -> (i32, i32) {
    %c0_i32 = arith.constant 0 : i32
    %c0_i32_0 = arith.constant 0 : i32
    %c0_i32_1 = arith.constant 0 : i32
    return %c0_i32, %c0_i32_0 : i32, i32
  }
  func.func @transform_2(%arg0: i32) -> (i32, i32) {
    %c0_i32 = arith.constant 0 : i32
    %c0_i32_0 = arith.constant 0 : i32
    return %arg0, %c0_i32 : i32, i32
  }
}

module attributes {stable_mosaic.version = 14 : i64} {
  func.func @_scale_kernel(%arg0: i32, %arg1: memref<1000x128xf32, #tpu.memory_space<vmem>>, %arg2: memref<1x32x1000xf32, #tpu.memory_space<vmem>>, %arg3: memref<1000x128xf32, #tpu.memory_space<vmem>>, %arg4: memref<1000x1xf32, #tpu.memory_space<vmem>>) attributes {dimension_semantics = [#tpu.dimension_semantics<arbitrary>], iteration_bounds = array<i64: 10>, scalar_prefetch = 0 : i64, scratch_operands = 0 : i64, tpu.core_type = #tpu.core_type<tc>, window_params = [{transform_indices = @transform_0, window_bounds = array<i64: 1000, 128>}, {transform_indices = @transform_1, window_bounds = array<i64: 1, 32, 1000>}, {transform_indices = @transform_2, window_bounds = array<i64: 1000, 128>}, {transform_indices = @transform_3, window_bounds = array<i64: 1000, 1>}]} {
    %get3A = arith.constant 0 : index
    %get3A_0 = arith.constant 0 : index
    %get3A_1 = arith.constant 0 : index
    %get3A_2 = vector.load %arg2[%get3A, %get3A_0, %get3A_1] : memref<1x32x1000xf32, #tpu.memory_space<vmem>>, vector<1x32x1000xf32>
    %reshape3A = vector.shape_cast %get3A_2 : vector<1x32x1000xf32> to vector<32x1000xf32>
    %broadcast_in_dim3A = arith.constant 1.000000e+00 : f32
    %broadcast_in_dim3A_3 = vector.broadcast %broadcast_in_dim3A : f32 to vector<32x1xf32>
    %dot_general3A = arith.constant dense<0.000000e+00> : vector<1000x1xf32>
    %dot_general3A_4 = tpu.matmul %reshape3A, %broadcast_in_dim3A_3, %dot_general3A {dimension_numbers = #tpu.dot_dimension_numbers<[0], [0], [1], [1], [0, 1, 1, 1], [], []>, precision = #tpu.contract_precision<fp32>, transpose_lhs_hint = false} : vector<32x1000xf32>, vector<32x1xf32>, vector<1000x1xf32> -> vector<1000x1xf32>
    %add3A = arith.constant 1.000000e+00 : f32
    %add3A_5 = vector.broadcast %add3A : f32 to vector<1000x1xf32>
    %add3A_6 = arith.addf %dot_general3A_4, %add3A_5 : vector<1000x1xf32>
    %rsqrt3A = math.rsqrt %add3A_6 : vector<1000x1xf32>
    %swap3A = arith.constant 0 : index
    %swap3A_7 = arith.constant 0 : index
    %swap3A_8 = vector.load %arg4[%swap3A, %swap3A_7] : memref<1000x1xf32, #tpu.memory_space<vmem>>, vector<1000x1xf32>
    tpu.vector_store %arg4[%swap3A, %swap3A_7], %rsqrt3A {strides = array<i32>} : memref<1000x1xf32, #tpu.memory_space<vmem>>, vector<1000x1xf32>,
    %get3A_9 = arith.constant 0 : index
    %get3A_10 = arith.constant 0 : index
    %get3A_11 = vector.load %arg1[%get3A_9, %get3A_10] : memref<1000x128xf32, #tpu.memory_space<vmem>>, vector<1000x128xf32>
    %mul3A = vector.broadcast %rsqrt3A : vector<1000x1xf32> to vector<1000x128xf32>
    %mul3A_12 = arith.mulf %get3A_11, %mul3A : vector<1000x128xf32>
    %swap3A_13 = arith.constant 0 : index
    %swap3A_14 = arith.constant 0 : index
    %swap3A_15 = vector.load %arg3[%swap3A_13, %swap3A_14] : memref<1000x128xf32, #tpu.memory_space<vmem>>, vector<1000x128xf32>
    tpu.vector_store %arg3[%swap3A_13, %swap3A_14], %mul3A_12 {strides = array<i32>} : memref<1000x128xf32, #tpu.memory_space<vmem>>, vector<1000x128xf32>,
    return
  }
  func.func @transform_0(%arg0: i32) -> (i32, i32) {
    %c0_i32 = arith.constant 0 : i32
    %c0_i32_0 = arith.constant 0 : i32
    return %arg0, %c0_i32 : i32, i32
  }
  func.func @transform_1(%arg0: i32) -> (i32, i32, i32) {
    %c0_i32 = arith.constant 0 : i32
    %c0_i32_0 = arith.constant 0 : i32
    %c0_i32_1 = arith.constant 0 : i32
    return %arg0, %c0_i32, %c0_i32_0 : i32, i32, i32
  }
  func.func @transform_2(%arg0: i32) -> (i32, i32) {
    %c0_i32 = arith.constant 0 : i32
    %c0_i32_0 = arith.constant 0 : i32
    return %arg0, %c0_i32 : i32, i32
  }
  func.func @transform_3(%arg0: i32) -> (i32, i32) {
    %c0_i32 = arith.constant 0 : i32
    %c0_i32_0 = arith.constant 0 : i32
    return %arg0, %c0_i32 : i32, i32
  }
}

module attributes {stable_mosaic.version = 14 : i64} {
  func.func @_final_stage_kernel(%arg0: i32, %arg1: memref<1x1000x128xf32, #tpu.memory_space<vmem>>, %arg2: memref<1x1000x128xf32, #tpu.memory_space<vmem>>, %arg3: memref<1000x128xf32, #tpu.memory_space<vmem>>, %arg4: memref<1000x1xf32, #tpu.memory_space<vmem>>, %arg5: memref<1x128xf32, #tpu.memory_space<vmem>>, %arg6: memref<1000x128xf32, #tpu.memory_space<vmem>>) attributes {dimension_semantics = [#tpu.dimension_semantics<arbitrary>], iteration_bounds = array<i64: 10>, scalar_prefetch = 0 : i64, scratch_operands = 0 : i64, tpu.core_type = #tpu.core_type<tc>, window_params = [{transform_indices = @transform_0, window_bounds = array<i64: 1, 1000, 128>}, {transform_indices = @transform_1, window_bounds = array<i64: 1, 1000, 128>}, {transform_indices = @transform_2, window_bounds = array<i64: 1000, 128>}, {transform_indices = @transform_3, window_bounds = array<i64: 1000, 1>}, {pipeline_mode = #tpu.pipeline_mode<synchronous>, transform_indices = @transform_4, window_bounds = array<i64: 1, 128>}, {transform_indices = @transform_5, window_bounds = array<i64: 1000, 128>}]} {
    %get3A = arith.constant 0 : index
    %get3A_0 = arith.constant 0 : index
    %get3A_1 = vector.load %arg4[%get3A, %get3A_0] : memref<1000x1xf32, #tpu.memory_space<vmem>>, vector<1000x1xf32>
    %get3A_2 = arith.constant 0 : index
    %get3A_3 = arith.constant 0 : index
    %get3A_4 = arith.constant 0 : index
    %get3A_5 = vector.load %arg1[%get3A_2, %get3A_3, %get3A_4] : memref<1x1000x128xf32, #tpu.memory_space<vmem>>, vector<1x1000x128xf32>
    %get3A_6 = vector.shape_cast %get3A_5 : vector<1x1000x128xf32> to vector<1000x128xf32>
    %get3A_7 = arith.constant 0 : index
    %get3A_8 = arith.constant 0 : index
    %get3A_9 = arith.constant 0 : index
    %get3A_10 = vector.load %arg2[%get3A_7, %get3A_8, %get3A_9] : memref<1x1000x128xf32, #tpu.memory_space<vmem>>, vector<1x1000x128xf32>
    %get3A_11 = vector.shape_cast %get3A_10 : vector<1x1000x128xf32> to vector<1000x128xf32>
    %add3A = arith.addf %get3A_6, %get3A_11 : vector<1000x128xf32>
    %get3A_12 = arith.constant 0 : index
    %get3A_13 = arith.constant 0 : index
    %get3A_14 = vector.load %arg3[%get3A_12, %get3A_13] : memref<1000x128xf32, #tpu.memory_space<vmem>>, vector<1000x128xf32>
    %add3A_15 = arith.addf %add3A, %get3A_14 : vector<1000x128xf32>
    %mul3A = vector.broadcast %get3A_1 : vector<1000x1xf32> to vector<1000x128xf32>
    %mul3A_16 = arith.mulf %mul3A, %add3A_15 : vector<1000x128xf32>
    %get3A_17 = arith.constant 0 : index
    %get3A_18 = arith.constant 0 : index
    %get3A_19 = vector.load %arg5[%get3A_17, %get3A_18] : memref<1x128xf32, #tpu.memory_space<vmem>>, vector<1x128xf32>
    %add3A_20 = vector.broadcast %get3A_19 : vector<1x128xf32> to vector<1000x128xf32>
    %add3A_21 = arith.addf %mul3A_16, %add3A_20 : vector<1000x128xf32>
    %swap3A = arith.constant 0 : index
    %swap3A_22 = arith.constant 0 : index
    %swap3A_23 = vector.load %arg6[%swap3A, %swap3A_22] : memref<1000x128xf32, #tpu.memory_space<vmem>>, vector<1000x128xf32>
    tpu.vector_store %arg6[%swap3A, %swap3A_22], %add3A_21 {strides = array<i32>} : memref<1000x128xf32, #tpu.memory_space<vmem>>, vector<1000x128xf32>,
    return
  }
  func.func @transform_0(%arg0: i32) -> (i32, i32, i32) {
    %c0_i32 = arith.constant 0 : i32
    %c0_i32_0 = arith.constant 0 : i32
    %c0_i32_1 = arith.constant 0 : i32
    return %c0_i32, %arg0, %c0_i32_0 : i32, i32, i32
  }
  func.func @transform_1(%arg0: i32) -> (i32, i32, i32) {
    %c1_i32 = arith.constant 1 : i32
    %c0_i32 = arith.constant 0 : i32
    %c0_i32_0 = arith.constant 0 : i32
    return %c1_i32, %arg0, %c0_i32 : i32, i32, i32
  }
  func.func @transform_2(%arg0: i32) -> (i32, i32) {
    %c0_i32 = arith.constant 0 : i32
    %c0_i32_0 = arith.constant 0 : i32
    return %arg0, %c0_i32 : i32, i32
  }
  func.func @transform_3(%arg0: i32) -> (i32, i32) {
    %c0_i32 = arith.constant 0 : i32
    %c0_i32_0 = arith.constant 0 : i32
    return %arg0, %c0_i32 : i32, i32
  }
  func.func @transform_4(%arg0: i32) -> (i32, i32) {
    %c0_i32 = arith.constant 0 : i32
    %c0_i32_0 = arith.constant 0 : i32
    %c0_i32_1 = arith.constant 0 : i32
    return %c0_i32, %c0_i32_0 : i32, i32
  }
  func.func @transform_5(%arg0: i32) -> (i32, i32) {
    %c0_i32 = arith.constant 0 : i32
    %c0_i32_0 = arith.constant 0 : i32
    return %arg0, %c0_i32 : i32, i32
  }
}

module attributes {stable_mosaic.version = 14 : i64} {
  func.func @_mid_stage_kernel(%arg0: i32, %arg1: memref<1x1000x128xf32, #tpu.memory_space<vmem>>, %arg2: memref<1x1000x128xf32, #tpu.memory_space<vmem>>, %arg3: memref<1000x128xf32, #tpu.memory_space<vmem>>, %arg4: memref<1000x1xf32, #tpu.memory_space<vmem>>, %arg5: memref<1x128xf32, #tpu.memory_space<vmem>>, %arg6: memref<128x128xf32, #tpu.memory_space<vmem>>, %arg7: memref<128x120xf32, #tpu.memory_space<vmem>>, %arg8: memref<120x128xf32, #tpu.memory_space<vmem>>, %arg9: memref<1x4xf32, #tpu.memory_space<vmem>>, %arg10: memref<120x128xf32, #tpu.memory_space<vmem>>, %arg11: memref<128x120xf32, #tpu.memory_space<vmem>>, %arg12: memref<4x128xf32, #tpu.memory_space<vmem>>, %arg13: memref<1x128xf32, #tpu.memory_space<vmem>>, %arg14: memref<1000x128xf32, #tpu.memory_space<vmem>>) attributes {dimension_semantics = [#tpu.dimension_semantics<arbitrary>], iteration_bounds = array<i64: 10>, scalar_prefetch = 0 : i64, scratch_operands = 0 : i64, tpu.core_type = #tpu.core_type<tc>, window_params = [{transform_indices = @transform_0, window_bounds = array<i64: 1, 1000, 128>}, {transform_indices = @transform_1, window_bounds = array<i64: 1, 1000, 128>}, {transform_indices = @transform_2, window_bounds = array<i64: 1000, 128>}, {transform_indices = @transform_3, window_bounds = array<i64: 1000, 1>}, {pipeline_mode = #tpu.pipeline_mode<synchronous>, transform_indices = @transform_4, window_bounds = array<i64: 1, 128>}, {pipeline_mode = #tpu.pipeline_mode<synchronous>, transform_indices = @transform_5, window_bounds = array<i64: 128, 128>}, {pipeline_mode = #tpu.pipeline_mode<synchronous>, transform_indices = @transform_6, window_bounds = array<i64: 128, 120>}, {pipeline_mode = #tpu.pipeline_mode<synchronous>, transform_indices = @transform_7, window_bounds = array<i64: 120, 128>}, {pipeline_mode = #tpu.pipeline_mode<synchronous>, transform_indices = @transform_8, window_bounds = array<i64: 1, 4>}, {pipeline_mode = #tpu.pipeline_mode<synchronous>, transform_indices = @transform_9, window_bounds = array<i64: 120, 128>}, {pipeline_mode = #tpu.pipeline_mode<synchronous>, transform_indices = @transform_10, window_bounds = array<i64: 128, 120>}, {pipeline_mode = #tpu.pipeline_mode<synchronous>, transform_indices = @transform_11, window_bounds = array<i64: 4, 128>}, {pipeline_mode = #tpu.pipeline_mode<synchronous>, transform_indices = @transform_12, window_bounds = array<i64: 1, 128>}, {transform_indices = @transform_13, window_bounds = array<i64: 1000, 128>}]} {
    %get3A = arith.constant 0 : index
    %get3A_0 = arith.constant 0 : index
    %get3A_1 = vector.load %arg4[%get3A, %get3A_0] : memref<1000x1xf32, #tpu.memory_space<vmem>>, vector<1000x1xf32>
    %get3A_2 = arith.constant 0 : index
    %get3A_3 = arith.constant 0 : index
    %get3A_4 = arith.constant 0 : index
    %get3A_5 = vector.load %arg1[%get3A_2, %get3A_3, %get3A_4] : memref<1x1000x128xf32, #tpu.memory_space<vmem>>, vector<1x1000x128xf32>
    %get3A_6 = vector.shape_cast %get3A_5 : vector<1x1000x128xf32> to vector<1000x128xf32>
    %get3A_7 = arith.constant 0 : index
    %get3A_8 = arith.constant 0 : index
    %get3A_9 = arith.constant 0 : index
    %get3A_10 = vector.load %arg2[%get3A_7, %get3A_8, %get3A_9] : memref<1x1000x128xf32, #tpu.memory_space<vmem>>, vector<1x1000x128xf32>
    %get3A_11 = vector.shape_cast %get3A_10 : vector<1x1000x128xf32> to vector<1000x128xf32>
    %add3A = arith.addf %get3A_6, %get3A_11 : vector<1000x128xf32>
    %get3A_12 = arith.constant 0 : index
    %get3A_13 = arith.constant 0 : index
    %get3A_14 = vector.load %arg3[%get3A_12, %get3A_13] : memref<1000x128xf32, #tpu.memory_space<vmem>>, vector<1000x128xf32>
    %add3A_15 = arith.addf %add3A, %get3A_14 : vector<1000x128xf32>
    %mul3A = vector.broadcast %get3A_1 : vector<1000x1xf32> to vector<1000x128xf32>
    %mul3A_16 = arith.mulf %mul3A, %add3A_15 : vector<1000x128xf32>
    %get3A_17 = arith.constant 0 : index
    %get3A_18 = arith.constant 0 : index
    %get3A_19 = vector.load %arg5[%get3A_17, %get3A_18] : memref<1x128xf32, #tpu.memory_space<vmem>>, vector<1x128xf32>
    %add3A_20 = vector.broadcast %get3A_19 : vector<1x128xf32> to vector<1000x128xf32>
    %add3A_21 = arith.addf %mul3A_16, %add3A_20 : vector<1000x128xf32>
    %max3A = arith.constant 0.000000e+00 : f32
    %max3A_22 = vector.broadcast %max3A : f32 to vector<1000x128xf32>
    %max3A_23 = arith.maximumf %add3A_21, %max3A_22 : vector<1000x128xf32>
    %get3A_24 = arith.constant 0 : index
    %get3A_25 = arith.constant 0 : index
    %get3A_26 = vector.load %arg7[%get3A_24, %get3A_25] : memref<128x120xf32, #tpu.memory_space<vmem>>, vector<128x120xf32>
    %get3A_27 = arith.constant 0 : index
    %get3A_28 = arith.constant 0 : index
    %get3A_29 = vector.load %arg8[%get3A_27, %get3A_28] : memref<120x128xf32, #tpu.memory_space<vmem>>, vector<120x128xf32>
    %get3A_30 = arith.constant 0 : index
    %get3A_31 = arith.constant 0 : index
    %get3A_32 = vector.load %arg9[%get3A_30, %get3A_31] : memref<1x4xf32, #tpu.memory_space<vmem>>, vector<1x4xf32>
    %get3A_33 = arith.constant 0 : index
    %get3A_34 = arith.constant 0 : index
    %get3A_35 = vector.load %arg10[%get3A_33, %get3A_34] : memref<120x128xf32, #tpu.memory_space<vmem>>, vector<120x128xf32>
    %get3A_36 = arith.constant 0 : index
    %get3A_37 = arith.constant 0 : index
    %get3A_38 = vector.load %arg11[%get3A_36, %get3A_37] : memref<128x120xf32, #tpu.memory_space<vmem>>, vector<128x120xf32>
    %get3A_39 = arith.constant 0 : index
    %get3A_40 = arith.constant 0 : index
    %get3A_41 = vector.load %arg12[%get3A_39, %get3A_40] : memref<4x128xf32, #tpu.memory_space<vmem>>, vector<4x128xf32>
    %get3A_42 = arith.constant 0 : index
    %get3A_43 = arith.constant 0 : index
    %get3A_44 = vector.load %arg13[%get3A_42, %get3A_43] : memref<1x128xf32, #tpu.memory_space<vmem>>, vector<1x128xf32>
    %dot_general3A = arith.constant dense<0.000000e+00> : vector<1000x120xf32>
    %dot_general3A_45 = tpu.matmul %max3A_23, %get3A_26, %dot_general3A {dimension_numbers = #tpu.dot_dimension_numbers<[1], [0], [0], [1], [0, 0, 1, 1], [], []>, precision = #tpu.contract_precision<fp32>, transpose_lhs_hint = false} : vector<1000x128xf32>, vector<128x120xf32>, vector<1000x120xf32> -> vector<1000x120xf32>
    %exp3A = math.exp %dot_general3A_45 : vector<1000x120xf32>
    %dot_general3A_46 = arith.constant dense<0.000000e+00> : vector<1000x128xf32>
    %dot_general3A_47 = tpu.matmul %exp3A, %get3A_35, %dot_general3A_46 {dimension_numbers = #tpu.dot_dimension_numbers<[1], [0], [0], [1], [0, 0, 1, 1], [], []>, precision = #tpu.contract_precision<fp32>, transpose_lhs_hint = false} : vector<1000x120xf32>, vector<120x128xf32>, vector<1000x128xf32> -> vector<1000x128xf32>
    %add3A_48 = vector.broadcast %get3A_44 : vector<1x128xf32> to vector<1000x128xf32>
    %add3A_49 = arith.addf %dot_general3A_47, %add3A_48 : vector<1000x128xf32>
    %reduce_sum3A = vector.shape_cast %get3A_32 : vector<1x4xf32> to vector<1x1x4xf32>
    %reduce_sum3A_50 = arith.constant dense<0.000000e+00> : vector<1xf32>
    %reduce_sum3A_51 = vector.multi_reduction <add>, %reduce_sum3A, %reduce_sum3A_50 [1, 2] : vector<1x1x4xf32> to vector<1xf32>
    %reduce_sum3A_52 = vector.shape_cast %reduce_sum3A_51 : vector<1xf32> to vector<1x1x1xf32>
    %reduce_sum3A_53 = vector.extract %reduce_sum3A_52[0, 0, 0] : f32 from vector<1x1x1xf32>
    %div3A = vector.broadcast %reduce_sum3A_53 : f32 to vector<1x4xf32>
    %div3A_54 = arith.divf %get3A_32, %div3A : vector<1x4xf32>
    %dot_general3A_55 = arith.constant dense<0.000000e+00> : vector<1x128xf32>
    %dot_general3A_56 = tpu.matmul %div3A_54, %get3A_41, %dot_general3A_55 {dimension_numbers = #tpu.dot_dimension_numbers<[1], [0], [0], [1], [0, 0, 1, 1], [], []>, precision = #tpu.contract_precision<fp32>, transpose_lhs_hint = false} : vector<1x4xf32>, vector<4x128xf32>, vector<1x128xf32> -> vector<1x128xf32>
    %div3A_57 = vector.broadcast %dot_general3A_56 : vector<1x128xf32> to vector<1000x128xf32>
    %div3A_58 = arith.divf %div3A_57, %add3A_49 : vector<1000x128xf32>
    %dot_general3A_59 = arith.constant dense<0.000000e+00> : vector<1000x120xf32>
    %dot_general3A_60 = tpu.matmul %div3A_58, %get3A_38, %dot_general3A_59 {dimension_numbers = #tpu.dot_dimension_numbers<[1], [0], [0], [1], [0, 0, 1, 1], [], []>, precision = #tpu.contract_precision<fp32>, transpose_lhs_hint = false} : vector<1000x128xf32>, vector<128x120xf32>, vector<1000x120xf32> -> vector<1000x120xf32>
    %mul3A_61 = arith.mulf %exp3A, %dot_general3A_60 : vector<1000x120xf32>
    %dot_general3A_62 = arith.constant dense<0.000000e+00> : vector<1000x128xf32>
    %dot_general3A_63 = tpu.matmul %mul3A_61, %get3A_29, %dot_general3A_62 {dimension_numbers = #tpu.dot_dimension_numbers<[1], [0], [0], [1], [0, 0, 1, 1], [], []>, precision = #tpu.contract_precision<fp32>, transpose_lhs_hint = false} : vector<1000x120xf32>, vector<120x128xf32>, vector<1000x128xf32> -> vector<1000x128xf32>
    %get3A_64 = arith.constant 0 : index
    %get3A_65 = arith.constant 0 : index
    %get3A_66 = vector.load %arg6[%get3A_64, %get3A_65] : memref<128x128xf32, #tpu.memory_space<vmem>>, vector<128x128xf32>
    %dot_general3A_67 = arith.constant dense<0.000000e+00> : vector<1000x128xf32>
    %dot_general3A_68 = tpu.matmul %dot_general3A_63, %get3A_66, %dot_general3A_67 {dimension_numbers = #tpu.dot_dimension_numbers<[1], [0], [0], [1], [0, 0, 1, 1], [], []>, precision = #tpu.contract_precision<fp32>, transpose_lhs_hint = false} : vector<1000x128xf32>, vector<128x128xf32>, vector<1000x128xf32> -> vector<1000x128xf32>
    %mul3A_69 = vector.broadcast %get3A_1 : vector<1000x1xf32> to vector<1000x128xf32>
    %mul3A_70 = arith.mulf %dot_general3A_68, %mul3A_69 : vector<1000x128xf32>
    %swap3A = arith.constant 0 : index
    %swap3A_71 = arith.constant 0 : index
    %swap3A_72 = vector.load %arg14[%swap3A, %swap3A_71] : memref<1000x128xf32, #tpu.memory_space<vmem>>, vector<1000x128xf32>
    tpu.vector_store %arg14[%swap3A, %swap3A_71], %mul3A_70 {strides = array<i32>} : memref<1000x128xf32, #tpu.memory_space<vmem>>, vector<1000x128xf32>,
    return
  }
  func.func @transform_0(%arg0: i32) -> (i32, i32, i32) {
    %c0_i32 = arith.constant 0 : i32
    %c0_i32_0 = arith.constant 0 : i32
    %c0_i32_1 = arith.constant 0 : i32
    return %c0_i32, %arg0, %c0_i32_0 : i32, i32, i32
  }
  func.func @transform_1(%arg0: i32) -> (i32, i32, i32) {
    %c1_i32 = arith.constant 1 : i32
    %c0_i32 = arith.constant 0 : i32
    %c0_i32_0 = arith.constant 0 : i32
    return %c1_i32, %arg0, %c0_i32 : i32, i32, i32
  }
  func.func @transform_2(%arg0: i32) -> (i32, i32) {
    %c0_i32 = arith.constant 0 : i32
    %c0_i32_0 = arith.constant 0 : i32
    return %arg0, %c0_i32 : i32, i32
  }
  func.func @transform_3(%arg0: i32) -> (i32, i32) {
    %c0_i32 = arith.constant 0 : i32
    %c0_i32_0 = arith.constant 0 : i32
    return %arg0, %c0_i32 : i32, i32
  }
  func.func @transform_4(%arg0: i32) -> (i32, i32) {
    %c0_i32 = arith.constant 0 : i32
    %c0_i32_0 = arith.constant 0 : i32
    %c0_i32_1 = arith.constant 0 : i32
    return %c0_i32, %c0_i32_0 : i32, i32
  }
  func.func @transform_5(%arg0: i32) -> (i32, i32) {
    %c0_i32 = arith.constant 0 : i32
    %c0_i32_0 = arith.constant 0 : i32
    %c0_i32_1 = arith.constant 0 : i32
    return %c0_i32, %c0_i32_0 : i32, i32
  }
  func.func @transform_6(%arg0: i32) -> (i32, i32) {
    %c0_i32 = arith.constant 0 : i32
    %c0_i32_0 = arith.constant 0 : i32
    %c0_i32_1 = arith.constant 0 : i32
    return %c0_i32, %c0_i32_0 : i32, i32
  }
  func.func @transform_7(%arg0: i32) -> (i32, i32) {
    %c0_i32 = arith.constant 0 : i32
    %c0_i32_0 = arith.constant 0 : i32
    %c0_i32_1 = arith.constant 0 : i32
    return %c0_i32, %c0_i32_0 : i32, i32
  }
  func.func @transform_8(%arg0: i32) -> (i32, i32) {
    %c0_i32 = arith.constant 0 : i32
    %c0_i32_0 = arith.constant 0 : i32
    %c0_i32_1 = arith.constant 0 : i32
    return %c0_i32, %c0_i32_0 : i32, i32
  }
  func.func @transform_9(%arg0: i32) -> (i32, i32) {
    %c0_i32 = arith.constant 0 : i32
    %c0_i32_0 = arith.constant 0 : i32
    %c0_i32_1 = arith.constant 0 : i32
    return %c0_i32, %c0_i32_0 : i32, i32
  }
  func.func @transform_10(%arg0: i32) -> (i32, i32) {
    %c0_i32 = arith.constant 0 : i32
    %c0_i32_0 = arith.constant 0 : i32
    %c0_i32_1 = arith.constant 0 : i32
    return %c0_i32, %c0_i32_0 : i32, i32
  }
  func.func @transform_11(%arg0: i32) -> (i32, i32) {
    %c0_i32 = arith.constant 0 : i32
    %c0_i32_0 = arith.constant 0 : i32
    %c0_i32_1 = arith.constant 0 : i32
    return %c0_i32, %c0_i32_0 : i32, i32
  }
  func.func @transform_12(%arg0: i32) -> (i32, i32) {
    %c0_i32 = arith.constant 0 : i32
    %c0_i32_0 = arith.constant 0 : i32
    %c0_i32_1 = arith.constant 0 : i32
    return %c0_i32, %c0_i32_0 : i32, i32
  }
  func.func @transform_13(%arg0: i32) -> (i32, i32) {
    %c0_i32 = arith.constant 0 : i32
    %c0_i32_0 = arith.constant 0 : i32
    return %arg0, %c0_i32 : i32, i32
  }
}

</mosaic_0001>

<sc_bundles>
// kernel: kernel.11.cloned.1.call-start
scs
__scs_entry_jumppad:
0x0: {  	(pc) =	sbr.rel $0x88, $3  }
0x1: {  	(tag) =	ssettag $0x0;
	lr =	simm.s32 $0x1  }
0x2: {  	[smem:$0x3F97] =	sst lr;
	_ =	strace $0xD0000000  }
0x3: {  	_ = 	snop  }
0x4: {  	_ = 	snop  }
0x5: {  	_ = 	snop  }
0x6: {  	_ = 	snop  }
0x7: {  	_ = 	snop  }
__scs_overlays_trampoline_lowered:
0x8: {  	[smem:$0x3FA6] =	sst s0  }
0x9: {  	[smem:$0x3FA7] =	sst s1  }
0xa: {  	[smem:$0x3FA8] =	sst s2  }
0xb: {  	[smem:$0x3FA9] =	sst s3  }
0xc: {  	[smem:$0x3FAA] =	sst s4  }
0xd: {  	[smem:$0x3FAB] =	sst s5  }
0xe: {  	[smem:$0x3FAC] =	sst s6  }
0xf: {  	[smem:$0x3FAD] =	sst s7  }
0x10: {  	[smem:$0x3FAE] =	sst s8  }
0x11: {  	[smem:$0x3FAF] =	sst s9;
	s0 =	simm.s32 @!p0 $0x0  }
0x12: {  	s1 =	sld [smem:$0x3F95];
	s0 =	simm.s32 @p0 $0x1  }
0x13: {  	[smem:$0x3FB0] =	sst s0;
	s0 =	simm.s32 @!p1 $0x0  }
0x14: {  	s2 =	sld [smem:$0x3F94];
	s0 =	simm.s32 @p1 $0x1  }
0x15: {  	[smem:$0x3FB1] =	sst s0;
	s0 =	simm.s32 @!p2 $0x0  }
0x16: {  	s3 =	sld [smem:$0x3FDB];
	s0 =	simm.s32 @p2 $0x1  }
0x17: {  	s4 =	simm.s32 $0x1BF5;
	[smem:$0x3FB3] =	sst s0  }
0x18: {  	s0 =	sld [smem:$0x3F96];
	_ =	swait.ge [sflag:s4], $0x0  }
0x19: {  	s7 =	sld [smem:$0x3F97]  }
0x1a: {  	s8 =	sadd.s32 $0xFFFFE003, lr  }
0x1b: {  	s9 =	sadd.s32 $0xFFFFFEF7, lr;
	s5 =	simm.s32 $0xFFFFFFFF;
	p2 =	slt.u32 s8, $0xFFFFF086  }
0x1c: {  	p1 =	slt.u32 s9, $0xF7A;
	s5 =	simm.s32 @!p2 $0x0  }
0x1d: {  	s5 =	simm.s32 @p1 $0x1;
	p0 =	seq.s32 s7, s2  }
0x1e: {  	s7 =	smul.u32 @!p0 $0xF7A, s2;
	p2 =	seq.s32 @!p0 s5, $0x0  }
0x1f: {  	s9 =	smul.u32 $0xF7A, s1;
	s8 =	simm.s32 @!p0 $0x1BF5;
	p2 =	por !p2, p0  }
0x20: {  	[sflag:s8] =	ssyncset.s32 @!p0 $0xFFFFF086;
	s6 =	sadd.s32 @!p0 s3, s7;
	s7 =	simm.s32 @!p0 $0x108  }
0x21: {  	s3 =	sadd.s32 s3, s9;
	s6 =	sadd.s32 @!p0 $0x88, s6;
	s7 =	simm.s32 @p2 $0x1082  }
0x22: {  	[simem:s7], [sflag:s8] =	dma.local @!p0 [hbm:s6], $0xF7A  }
0x23: {  	s9 =	sor.u32 $0xD0000000, s2;
	s6 =	simm.s32 $0x108;
	_ =	swait.ge @!p0 [sflag:s8], $0x0  }
0x24: {  	s3 =	sadd.s32 $0x88, s3;
	s6 =	simm.s32 @!p1 $0x1082;
	[sflag:s4] =	ssyncset.s32 $0xFFFFF086  }
0x25: {  	[simem:s6], [sflag:s4] =	dma.local [hbm:s3], $0xF7A  }
0x26: {  	[smem:$0x3F97] =	sst s1;
	(tag) =	ssettag s2;
	_ =	strace s9  }
0x27: {  	s1 =	sld [smem:$0x3FA7]  }
0x28: {  	s2 =	sld [smem:$0x3FA8]  }
0x29: {  	s4 =	sld [smem:$0x3FAA]  }
0x2a: {  	p0 =	seq.s32 s5, $0x0;
	s5 =	sld [smem:$0x3FAB]  }
0x2b: {  	s6 =	sld [smem:$0x3FAC]  }
0x2c: {  	s7 =	sld [smem:$0x3FAD]  }
0x2d: {  	s3 =	simm.s32 $0x108;
	s8 =	sld [smem:$0x3FAE]  }
0x2e: {  	s3 =	simm.s32 @!p0 $0x1082;
	s9 =	sld [smem:$0x3FAF]  }
0x2f: {  	lr =	sadd.s32 s0, s3;
	s0 =	sld [smem:$0x3FA6]  }
0x30: {  	s3 =	sld [smem:$0x3FA9]  }
0x31: {  	[smem:$0x3FB2] =	sst s10  }
0x32: {  	s10 =	sld [smem:$0x3FB0];
	_ =	sdelay $0x3  }
0x33: {  	p0 =	seq.s32 s10, $0x1;
	s10 =	sld [smem:$0x3FB2];
	_ =	sdelay $0x3  }
0x34: {  	[smem:$0x3FB2] =	sst s10  }
0x35: {  	s10 =	sld [smem:$0x3FB1];
	_ =	sdelay $0x3  }
0x36: {  	p1 =	seq.s32 s10, $0x1;
	s10 =	sld [smem:$0x3FB2];
	_ =	sdelay $0x3  }
0x37: {  	[smem:$0x3FB2] =	sst s10  }
0x38: {  	s10 =	sld [smem:$0x3FB3]  }
0x39: {  	_ = 	snop;
	(pc) =	sbr.ind lr, $3  }
0x3a: {  	_ = 	snop  }
0x3b: {  	_ = 	snop  }
0x3c: {  	p2 =	seq.s32 s10, $0x1;
	s10 =	sld [smem:$0x3FB2]  }
0x3d: {  	_ =	shalt  }
0x3e: {  	_ =	shalt  }
0x3f: {  	_ =	shalt  }
0x40: {  	_ =	shalt  }
0x41: {  	_ =	shalt  }
0x42: {  	_ =	shalt  }
0x43: {  	_ =	shalt  }
0x44: {  	_ =	shalt  }
0x45: {  	_ =	shalt  }
0x46: {  	_ =	shalt  }
0x47: {  	_ =	shalt  }
0x48: {  	_ =	shalt  }
0x49: {  	_ =	shalt  }
0x4a: {  	_ =	shalt  }
0x4b: {  	_ =	shalt  }
0x4c: {  	_ =	shalt  }
0x4d: {  	_ =	shalt  }
0x4e: {  	_ =	shalt  }
0x4f: {  	_ =	shalt  }
0x50: {  	_ =	shalt  }
0x51: {  	_ =	shalt  }
0x52: {  	_ =	shalt  }
0x53: {  	_ =	shalt  }
0x54: {  	_ =	shalt  }
0x55: {  	_ =	shalt  }
0x56: {  	_ =	shalt  }
0x57: {  	_ =	shalt  }
0x58: {  	_ =	shalt  }
0x59: {  	_ =	shalt  }
0x5a: {  	_ =	shalt  }
0x5b: {  	_ =	shalt  }
0x5c: {  	_ =	shalt  }
0x5d: {  	_ =	shalt  }
0x5e: {  	_ =	shalt  }
0x5f: {  	_ =	shalt  }
0x60: {  	_ =	shalt  }
0x61: {  	_ =	shalt  }
0x62: {  	_ =	shalt  }
0x63: {  	_ =	shalt  }
0x64: {  	_ =	shalt  }
0x65: {  	_ =	shalt  }
0x66: {  	_ =	shalt  }
0x67: {  	_ =	shalt  }
0x68: {  	_ =	shalt  }
0x69: {  	_ =	shalt  }
0x6a: {  	_ =	shalt  }
0x6b: {  	_ =	shalt  }
0x6c: {  	_ =	shalt  }
0x6d: {  	_ =	shalt  }
0x6e: {  	_ =	shalt  }
0x6f: {  	_ =	shalt  }
0x70: {  	_ =	shalt  }
0x71: {  	_ =	shalt  }
0x72: {  	_ =	shalt  }
0x73: {  	_ =	shalt  }
0x74: {  	_ =	shalt  }
0x75: {  	_ =	shalt  }
0x76: {  	_ =	shalt  }
0x77: {  	_ =	shalt  }
0x78: {  	_ =	shalt  }
0x79: {  	_ =	shalt  }
0x7a: {  	_ =	shalt  }
0x7b: {  	_ =	shalt  }
0x7c: {  	_ =	shalt  }
0x7d: {  	_ =	shalt  }
0x7e: {  	_ =	shalt  }
0x7f: {  	_ =	shalt  }
0x80: {  	_ =	shalt  }
0x81: {  	_ =	shalt  }
0x82: {  	_ =	shalt  }
0x83: {  	_ =	shalt  }
0x84: {  	_ =	shalt  }
0x85: {  	_ =	shalt  }
0x86: {  	_ =	shalt  }
0x87: {  	_ =	shalt  }
.Lfunc_end0:
.L_simem_size_0:
called_computation_lowered:
.L_overlay_start_0:
0x88: {  	s2 =	sld [smem:$0x3FD9]  }
0x89: {  	s3 =	sld [smem:$0x3FFE];
	_ =	sdelay $0x1  }
0x8a: {  	s1 =	srdreg.scid  }
0x8b: {  	s0 =	sand.u32 $0x1, s1  }
0x8c: {  	s17 =	sshll.u32 s0, $0xA;
	s2 =	sadd.s32 s3, s2  }
0x8d: {  	s2 =	sadd.s32 s2, s17  }
0x8e: {  	[smem:$0x3FBE] =	sst s2  }
0x8f: {  	_ = 	snop  }
0x90: {  	s2 =	sld [smem:$0x3FD0];
	(tm) =	ssettm $0x1  }
0x91: {  	s18 =	sld [smem:$0x3FFB];
	_ =	sdelay $0x3  }
0x92: {  	_ =	strace s18  }
0x93: {  	s3 =	sld [smem:$0x3FFC];
	_ =	sdelay $0x3  }
0x94: {  	_ =	strace s3  }
0x95: {  	s3 =	sld [smem:$0x3FFD];
	_ =	sdelay $0x3  }
0x96: {  	_ =	strace s3  }
0x97: {  	_ =	strace $0x8FFFFFFF  }
0x98: {  	s19 =	sld [smem:$0x3FDB];
	_ =	sdelay $0x1  }
0x99: {  	s4 =	simm.s32 $_scs_section_size  }
0x9a: {  	s5 =	simm.s32 $_size__tile_overlayer_lowered;
	s6 =	simm.s32 $_tile_overlayer_lowered  }
0x9b: {  	s22 =	simm.s32 $0x1BFF;
	s21 =	sshll.u32 s6, $0x1;
	s3 =	sadd.s32 s4, s19  }
0x9c: {  	s7 =	simm.s32 $0x0;
	s20 =	sshll.u32 s5, $0x1;
	s5 =	sadd.s32 s21, s3  }
0x9d: {  	[timem:s7], [sflag:s22] =	dma.local [hbm:s5], s20  }
0x9e: {  	_ =	swait.ge [sflag:s22], s20  }
0x9f: {  	s4 =	ssub.s32 $0x0, s20;
	[sflag:s22] =	ssyncset.done $0x0  }
0xa0: {  	[sflag:s22] =	ssyncadd.s32 s4;
	_ =	sdelay $0x1  }
0xa1: {  	s23 =	simm.s32 $0x1B8B  }
0xa2: {  	_ =	swait.ge [sflag:s23], $0x1  }
0xa3: {  	[sflag:s23] =	ssyncset.done $0x0  }
0xa4: {  	s25 =	simm.s32 $0x1B8E;
	s24 =	sld [smem:$0x3FFE];
	[sflag:s23] =	ssyncadd.s32 $0xFFFFFFFF  }
0xa5: {  	s26 =	simm.s32 $execute0_lowered;
	[smem:$0x3FD2] =	sst s25  }
0xa6: {  	s5 =	sshll.u32 s26, $0x1;
	_ =	strace $0x80000046;
	[dreg:$0x1] =	wrdreg $0xFFFFFFFF  }
0xa7: {  	s28 =	simm.s32 $_size_execute0_lowered;
	s3 =	sadd.s32 s3, s5;
	[dreg:$0x0] =	wrdreg $0x0  }
0xa8: {  	s5 =	sshll.u32 s28, $0x1;
	[dreg:$0x2] =	wrdreg s3  }
0xa9: {  	[dreg:$0x3] =	wrdreg s5  }
0xaa: {  	[dreg:$0x4] =	wrdreg $0xC0  }
0xab: {  	_ =	task [dreg:s7], $0x5FFFF  }
0xac: {  	[dreg:$0x1] =	wrdreg $0xFFFFFFFF  }
0xad: {  	[dreg:$0x0] =	wrdreg $0x60  }
0xae: {  	[dreg:$0x2] =	wrdreg s2  }
0xaf: {  	[dreg:$0x3] =	wrdreg s24  }
0xb0: {  	[dreg:$0x4] =	wrdreg $0x9  }
0xb1: {  	_ =	task.clear_ibuf [dreg:s7], $0x5FFFF;
	_ =	strace $0x90000046  }
0xb2: {  	s29 =	simm.s32 $0x9;
	_ =	strace $0x80000048  }
0xb3: {  	_ =	swait.ge [sflag:s29], $0x1  }
0xb4: {  	[sflag:s29] =	ssyncadd.s32 $0xFFFFFFFF  }
0xb5: {  	_ =	strace $0x90000048  }
0xb6: {  	_ =	sfence  }
0xb7: {  	s30 =	sld [smem:$0x0];
	_ =	sdelay $0x2  }
0xb8: {  	s31 =	sshll.u32 s1, $0xD;
	s1 =	sshrl.u32 s1, $0x2  }
0xb9: {  	s3 =	sand.u32 $0x4000, s31;
	s1 =	sadd.s32 s1, s30  }
0xba: {  	s0 =	sor.u32 s3, s0;
	s1 =	sshll.u32 s1, $0x11  }
0xbb: {  	s0 =	sor.u32 s1, s0  }
0xbc: {  	s0 =	sadd.s32 $0x8F2B, s0  }
0xbd: {  	[sflag:s0] =	ssyncadd.remote.s32 $0x1  }
0xbe: {  	_ =	sfence.sel $0xFFFF  }
0xbf: {  	[dreg:$0x0] =	wrdreg $0xFFFFFFFF;
	(pc) =	sbr.abs _section_cstart, $3  }
0xc0: {  	[dreg:$0x1] =	wrdreg $0xFFFFFFFF  }
0xc1: {  	_ =	task.clear_ibuf [dreg:s7], $0x2FFFF;
	_ =	strace $0x9FFFFFFF  }
0xc2: {  	(tm) =	ssettm $0x7FFFFFFF  }
0xc3: {  	_ =	shalt  }
tec
execute0_lowered:
.L_overlay_start_1:
0x0: {  	(tag) =	ssettag $0x1  }
0x1: {  	s1 =	srdreg.scid  }
0x2: {  	s0 =	stileid.u32;
	s3 =	rddreg [dreg:$0x0]  }
0x3: {  	s5 =	rddreg [dreg:$0x1];
	s2 =	simm.s32 $0x0;
	s15 =	simm.s32 $0x1  }
0x4: {  	s16 =	simm.s32 $0x2780;
	s17 =	simm.s32 $0x2B68;
	s18 =	simm.s32 $0x2F50  }
0x5: {  	s19 =	simm.s32 $0x3338;
	s20 =	simm.s32 $0x3720;
	s21 =	simm.s32 $0x3B08  }
0x6: {  	s22 =	simm.s32 $0x3EF0;
	s4 =	sand.u32 $0x1, s1;
	s30 =	sshll.u32 s0, $0x1  }
0x7: {  	s23 =	simm.s32 $0x42D8;
	s24 =	simm.s32 $0x46C0;
	s6 =	sor.u32 s4, s30  }
0x8: {  	s25 =	simm.s32 $0x4AA8;
	s1 =	rddreg [dreg:$0x2];
	s7 =	smul.u32 $0x3E8, s6  }
0x9: {  	s26 =	simm.s32 $0x0;
	[smem:$0x7FF] =	sst s2;
	s4 =	ssub.s32 $0x2, s4  }
0xa: {  	s8 =	sshrl.u32 s4, $0x1;
	s6 =	smul.u32 $0x4E2, s6;
	s7 =	sshrl.u32 s7, $0x3  }
0xb: {  	_ =	strace $0x80000047;
	s31 =	ssub.s32 s4, s8;
	s14 =	sadd.s32 s7, s5  }
0xc: {  	s3 =	sadd.s32 s3, s6;
	s5 =	smax.u32 s31, $0x1;
	s4 =	sadd.s32 $0xE000, s14  }
0xd: {  	s6 =	sadd.s32 $0xEFA0, s14;
	s7 =	sadd.s32 $0xFF40, s14;
	s8 =	sadd.s32 $0x10EE0, s14  }
0xe: {  	s9 =	sadd.s32 $0x11E80, s14;
	s10 =	sadd.s32 $0x12E20, s14;
	s11 =	sadd.s32 $0x13DC0, s14  }
0xf: {  	v0 =	vimm.f32 $0.0e+00;
	v1 =	vimm.f32 $1.000000000e+00;
	s12 =	sadd.s32 $0x14D60, s14;
	s13 =	sadd.s32 $0x15D00, s14;
	s14 =	sadd.s32 $0x16CA0, s14  }
.LBB2_1:
0x10: {  	[tilespmem:s2], [sflag:$0x1] =	stream.linear.gather [hbm4b:s3+s2], $0x2710, $0x38;
	[tilespmem:$0x4F00] =	vst v63  }
0x11: {  	_ =	swait.ge [sflag:s15], $0x2710  }
0x12: {  	[sflag:s15] =	ssyncset.done $0x0  }
0x13: {  	s28 =	simm.s32 $0x0;
	[sflag:s15] =	ssyncadd.s32 $0xFFFFD8F0  }
.LBB2_2:
0x14: {  	p0 =	sne.s32 s28, $0x9C00  }
.Ltmp0:
0x15: {  	_ = 	snop;
	(pc) =	sbr.rel @p0 .LBB2_2-.Ltmp0, $3  }
0x16: {  	_ =	sdelay $0x1  }
0x17: {  	s29 =	sshra.s32 s28, $0x2  }
0x18: {  	s28 =	sadd.s32 $0x40, s28;
	[tilespmem:s29+$0x2780] =	vst v0  }
0x19: {  	s29 =	simm.s32 $0x0;
	s28 =	simm.s32 $0x40  }
.LBB2_4:
0x1a: {  	p0 =	sne.s32 s28, $0x9C00;
	v2 =	vld [tilespmem:s29+$0x0];
	_ =	sdelay $0x3  }
.Ltmp1:
0x1b: {  	(pc) =	sbr.rel @p0 .LBB2_4-.Ltmp1, $2  }
0x1c: {  	_ =	sdelay $0x2  }
0x1d: {  	s29 =	sshra.s32 s28, $0x2;
	s28 =	sadd.s32 $0x40, s28;
	[tilespmem:v2+s16+$0x0] =	vst.idx.add.f32.msk $0xffff, v1  }
0x1e: {  	v2 =	vld [tilespmem:s29+$0x0];
	_ =	sdelay $0x7  }
0x1f: {  	[tilespmem:v2+s16+$0x0] =	vst.idx.add.f32.msk $0xffff, v1  }
0x20: {  	[hbm4b:s4+s2] =	stream.linear.scatter [tilespmem:s16], [sflag:$0x1], $0x3E8, $0x38;
	[tilespmem:$0x4F00] =	vst v63  }
0x21: {  	_ =	swait.ge [sflag:s15], $0x3E8  }
0x22: {  	[sflag:s15] =	ssyncset.done $0x0  }
0x23: {  	[sflag:s15] =	ssyncadd.s32 $0xFFFFFC18  }
0x24: {  	[hbm4b:s6+s2] =	stream.linear.scatter [tilespmem:s17], [sflag:$0x1], $0x3E8, $0x38;
	[tilespmem:$0x4F00] =	vst v63  }
0x25: {  	_ =	swait.ge [sflag:s15], $0x3E8  }
0x26: {  	[sflag:s15] =	ssyncset.done $0x0  }
0x27: {  	[sflag:s15] =	ssyncadd.s32 $0xFFFFFC18  }
0x28: {  	[hbm4b:s7+s2] =	stream.linear.scatter [tilespmem:s18], [sflag:$0x1], $0x3E8, $0x38;
	[tilespmem:$0x4F00] =	vst v63  }
0x29: {  	_ =	swait.ge [sflag:s15], $0x3E8  }
0x2a: {  	[sflag:s15] =	ssyncset.done $0x0  }
0x2b: {  	[sflag:s15] =	ssyncadd.s32 $0xFFFFFC18  }
0x2c: {  	[hbm4b:s8+s2] =	stream.linear.scatter [tilespmem:s19], [sflag:$0x1], $0x3E8, $0x38;
	[tilespmem:$0x4F00] =	vst v63  }
0x2d: {  	_ =	swait.ge [sflag:s15], $0x3E8  }
0x2e: {  	[sflag:s15] =	ssyncset.done $0x0  }
0x2f: {  	[sflag:s15] =	ssyncadd.s32 $0xFFFFFC18  }
0x30: {  	[hbm4b:s9+s2] =	stream.linear.scatter [tilespmem:s20], [sflag:$0x1], $0x3E8, $0x38;
	[tilespmem:$0x4F00] =	vst v63  }
0x31: {  	_ =	swait.ge [sflag:s15], $0x3E8  }
0x32: {  	[sflag:s15] =	ssyncset.done $0x0  }
0x33: {  	[sflag:s15] =	ssyncadd.s32 $0xFFFFFC18  }
0x34: {  	[hbm4b:s10+s2] =	stream.linear.scatter [tilespmem:s21], [sflag:$0x1], $0x3E8, $0x38;
	[tilespmem:$0x4F00] =	vst v63  }
0x35: {  	_ =	swait.ge [sflag:s15], $0x3E8  }
0x36: {  	[sflag:s15] =	ssyncset.done $0x0  }
0x37: {  	[sflag:s15] =	ssyncadd.s32 $0xFFFFFC18  }
0x38: {  	[hbm4b:s11+s2] =	stream.linear.scatter [tilespmem:s22], [sflag:$0x1], $0x3E8, $0x38;
	[tilespmem:$0x4F00] =	vst v63  }
0x39: {  	_ =	swait.ge [sflag:s15], $0x3E8  }
0x3a: {  	[sflag:s15] =	ssyncset.done $0x0  }
0x3b: {  	[sflag:s15] =	ssyncadd.s32 $0xFFFFFC18  }
0x3c: {  	[hbm4b:s12+s2] =	stream.linear.scatter [tilespmem:s23], [sflag:$0x1], $0x3E8, $0x38;
	[tilespmem:$0x4F00] =	vst v63  }
0x3d: {  	_ =	swait.ge [sflag:s15], $0x3E8  }
0x3e: {  	[sflag:s15] =	ssyncset.done $0x0  }
0x3f: {  	[sflag:s15] =	ssyncadd.s32 $0xFFFFFC18  }
0x40: {  	[hbm4b:s13+s2] =	stream.linear.scatter [tilespmem:s24], [sflag:$0x1], $0x3E8, $0x38;
	[tilespmem:$0x4F00] =	vst v63  }
0x41: {  	s26 =	sadd.s32 $0x1, s26;
	_ =	swait.ge [sflag:s15], $0x3E8  }
0x42: {  	p0 =	sne.s32 s26, s5;
	[sflag:s15] =	ssyncset.done $0x0  }
.Ltmp2:
0x43: {  	[sflag:s15] =	ssyncadd.s32 $0xFFFFFC18;
	(pc) =	sbr.rel @p0 .LBB2_1-.Ltmp2, $4  }
0x44: {  	[hbm4b:s14+s2] =	stream.linear.scatter [tilespmem:s25], [sflag:$0x1], $0x3E8, $0x38;
	[tilespmem:$0x4F00] =	vst v63  }
0x45: {  	_ =	swait.ge [sflag:s15], $0x3E8  }
0x46: {  	[sflag:s15] =	ssyncset.done $0x0  }
0x47: {  	[sflag:s15] =	ssyncadd.s32 $0xFFFFFC18  }
0x48: {  	_ =	sfence.sel $0x180000  }
0x49: {  	[bflag:$0x0] =	sbarrier.arrive $0xFFFF  }
0x4a: {  	p0 =	sne.s32 s0, $0x0;
	_ =	strace $0x90000047  }
0x4b: {  	s0 =	sadd.s32 @!p0 $0x100000, s1;
	[bflag:$0x2] =	sbarrier.arrive $0xFFFF  }
0x4c: {  	[sflag:s0] =	ssyncadd.tile.s32 @!p0 $0x1;
	_ =	shalt  }
.Lfunc_end2:
_tile_overlayer_lowered:
.L_overlay_start_2:
0x4d: {  	(tag) =	ssettag $0x2  }
0x4e: {  	s0 =	rddreg [dreg:$0x0];
	s2 =	stileid.u32  }
0x4f: {  	s1 =	rddreg [dreg:$0x1];
	p0 =	sne.s32 s2, $0x0  }
0x50: {  	s3 =	rddreg [dreg:$0x2];
	[bflag:$0x3] =	sbarrier.arrive $0xFFFF;
	s2 =	simm.s32 @!p0 $0x1C01  }
0x51: {  	[timem:s3], [sflag:s2] =	dma.local @!p0 [hbm:s0], s1  }
0x52: {  	s0 =	simm.s32 @!p0 $0x1  }
0x53: {  	_ =	swait.ge @!p0 [sflag:s0], s1  }
0x54: {  	s1 =	ssub.s32 @!p0 $0x0, s1;
	[sflag:s0] =	ssyncset.done @!p0 $0x0  }
0x55: {  	[sflag:s0] =	ssyncadd.s32 @!p0 s1  }
0x56: {  	[bflag:$0x3] =	sbarrier.arrive $0xFFFF  }
0x57: {  	_ =	shalt  }

// kernel: kernel.14.cloned.1.call-start
scs
__scs_entry_jumppad:
0x0: {  	(pc) =	sbr.rel $0x88, $3  }
0x1: {  	(tag) =	ssettag $0x0;
	lr =	simm.s32 $0x1  }
0x2: {  	[smem:$0x3F97] =	sst lr;
	_ =	strace $0xD0000000  }
0x3: {  	_ = 	snop  }
0x4: {  	_ = 	snop  }
0x5: {  	_ = 	snop  }
0x6: {  	_ = 	snop  }
0x7: {  	_ = 	snop  }
__scs_overlays_trampoline_lowered:
0x8: {  	[smem:$0x3FA6] =	sst s0  }
0x9: {  	[smem:$0x3FA7] =	sst s1  }
0xa: {  	[smem:$0x3FA8] =	sst s2  }
0xb: {  	[smem:$0x3FA9] =	sst s3  }
0xc: {  	[smem:$0x3FAA] =	sst s4  }
0xd: {  	[smem:$0x3FAB] =	sst s5  }
0xe: {  	[smem:$0x3FAC] =	sst s6  }
0xf: {  	[smem:$0x3FAD] =	sst s7  }
0x10: {  	[smem:$0x3FAE] =	sst s8  }
0x11: {  	[smem:$0x3FAF] =	sst s9;
	s0 =	simm.s32 @!p0 $0x0  }
0x12: {  	s1 =	sld [smem:$0x3F95];
	s0 =	simm.s32 @p0 $0x1  }
0x13: {  	[smem:$0x3FB0] =	sst s0;
	s0 =	simm.s32 @!p1 $0x0  }
0x14: {  	s2 =	sld [smem:$0x3F94];
	s0 =	simm.s32 @p1 $0x1  }
0x15: {  	[smem:$0x3FB1] =	sst s0;
	s0 =	simm.s32 @!p2 $0x0  }
0x16: {  	s3 =	sld [smem:$0x3FDB];
	s0 =	simm.s32 @p2 $0x1  }
0x17: {  	s4 =	simm.s32 $0x1BF5;
	[smem:$0x3FB3] =	sst s0  }
0x18: {  	s0 =	sld [smem:$0x3F96];
	_ =	swait.ge [sflag:s4], $0x0  }
0x19: {  	s7 =	sld [smem:$0x3F97]  }
0x1a: {  	s8 =	sadd.s32 $0xFFFFE003, lr  }
0x1b: {  	s9 =	sadd.s32 $0xFFFFFEF7, lr;
	s5 =	simm.s32 $0xFFFFFFFF;
	p2 =	slt.u32 s8, $0xFFFFF086  }
0x1c: {  	p1 =	slt.u32 s9, $0xF7A;
	s5 =	simm.s32 @!p2 $0x0  }
0x1d: {  	s5 =	simm.s32 @p1 $0x1;
	p0 =	seq.s32 s7, s2  }
0x1e: {  	s7 =	smul.u32 @!p0 $0xF7A, s2;
	p2 =	seq.s32 @!p0 s5, $0x0  }
0x1f: {  	s9 =	smul.u32 $0xF7A, s1;
	s8 =	simm.s32 @!p0 $0x1BF5;
	p2 =	por !p2, p0  }
0x20: {  	[sflag:s8] =	ssyncset.s32 @!p0 $0xFFFFF086;
	s6 =	sadd.s32 @!p0 s3, s7;
	s7 =	simm.s32 @!p0 $0x108  }
0x21: {  	s3 =	sadd.s32 s3, s9;
	s6 =	sadd.s32 @!p0 $0x88, s6;
	s7 =	simm.s32 @p2 $0x1082  }
0x22: {  	[simem:s7], [sflag:s8] =	dma.local @!p0 [hbm:s6], $0xF7A  }
0x23: {  	s9 =	sor.u32 $0xD0000000, s2;
	s6 =	simm.s32 $0x108;
	_ =	swait.ge @!p0 [sflag:s8], $0x0  }
0x24: {  	s3 =	sadd.s32 $0x88, s3;
	s6 =	simm.s32 @!p1 $0x1082;
	[sflag:s4] =	ssyncset.s32 $0xFFFFF086  }
0x25: {  	[simem:s6], [sflag:s4] =	dma.local [hbm:s3], $0xF7A  }
0x26: {  	[smem:$0x3F97] =	sst s1;
	(tag) =	ssettag s2;
	_ =	strace s9  }
0x27: {  	s1 =	sld [smem:$0x3FA7]  }
0x28: {  	s2 =	sld [smem:$0x3FA8]  }
0x29: {  	s4 =	sld [smem:$0x3FAA]  }
0x2a: {  	p0 =	seq.s32 s5, $0x0;
	s5 =	sld [smem:$0x3FAB]  }
0x2b: {  	s6 =	sld [smem:$0x3FAC]  }
0x2c: {  	s7 =	sld [smem:$0x3FAD]  }
0x2d: {  	s3 =	simm.s32 $0x108;
	s8 =	sld [smem:$0x3FAE]  }
0x2e: {  	s3 =	simm.s32 @!p0 $0x1082;
	s9 =	sld [smem:$0x3FAF]  }
0x2f: {  	lr =	sadd.s32 s0, s3;
	s0 =	sld [smem:$0x3FA6]  }
0x30: {  	s3 =	sld [smem:$0x3FA9]  }
0x31: {  	[smem:$0x3FB2] =	sst s10  }
0x32: {  	s10 =	sld [smem:$0x3FB0];
	_ =	sdelay $0x3  }
0x33: {  	p0 =	seq.s32 s10, $0x1;
	s10 =	sld [smem:$0x3FB2];
	_ =	sdelay $0x3  }
0x34: {  	[smem:$0x3FB2] =	sst s10  }
0x35: {  	s10 =	sld [smem:$0x3FB1];
	_ =	sdelay $0x3  }
0x36: {  	p1 =	seq.s32 s10, $0x1;
	s10 =	sld [smem:$0x3FB2];
	_ =	sdelay $0x3  }
0x37: {  	[smem:$0x3FB2] =	sst s10  }
0x38: {  	s10 =	sld [smem:$0x3FB3]  }
0x39: {  	_ = 	snop;
	(pc) =	sbr.ind lr, $3  }
0x3a: {  	_ = 	snop  }
0x3b: {  	_ = 	snop  }
0x3c: {  	p2 =	seq.s32 s10, $0x1;
	s10 =	sld [smem:$0x3FB2]  }
0x3d: {  	_ =	shalt  }
0x3e: {  	_ =	shalt  }
0x3f: {  	_ =	shalt  }
0x40: {  	_ =	shalt  }
0x41: {  	_ =	shalt  }
0x42: {  	_ =	shalt  }
0x43: {  	_ =	shalt  }
0x44: {  	_ =	shalt  }
0x45: {  	_ =	shalt  }
0x46: {  	_ =	shalt  }
0x47: {  	_ =	shalt  }
0x48: {  	_ =	shalt  }
0x49: {  	_ =	shalt  }
0x4a: {  	_ =	shalt  }
0x4b: {  	_ =	shalt  }
0x4c: {  	_ =	shalt  }
0x4d: {  	_ =	shalt  }
0x4e: {  	_ =	shalt  }
0x4f: {  	_ =	shalt  }
0x50: {  	_ =	shalt  }
0x51: {  	_ =	shalt  }
0x52: {  	_ =	shalt  }
0x53: {  	_ =	shalt  }
0x54: {  	_ =	shalt  }
0x55: {  	_ =	shalt  }
0x56: {  	_ =	shalt  }
0x57: {  	_ =	shalt  }
0x58: {  	_ =	shalt  }
0x59: {  	_ =	shalt  }
0x5a: {  	_ =	shalt  }
0x5b: {  	_ =	shalt  }
0x5c: {  	_ =	shalt  }
0x5d: {  	_ =	shalt  }
0x5e: {  	_ =	shalt  }
0x5f: {  	_ =	shalt  }
0x60: {  	_ =	shalt  }
0x61: {  	_ =	shalt  }
0x62: {  	_ =	shalt  }
0x63: {  	_ =	shalt  }
0x64: {  	_ =	shalt  }
0x65: {  	_ =	shalt  }
0x66: {  	_ =	shalt  }
0x67: {  	_ =	shalt  }
0x68: {  	_ =	shalt  }
0x69: {  	_ =	shalt  }
0x6a: {  	_ =	shalt  }
0x6b: {  	_ =	shalt  }
0x6c: {  	_ =	shalt  }
0x6d: {  	_ =	shalt  }
0x6e: {  	_ =	shalt  }
0x6f: {  	_ =	shalt  }
0x70: {  	_ =	shalt  }
0x71: {  	_ =	shalt  }
0x72: {  	_ =	shalt  }
0x73: {  	_ =	shalt  }
0x74: {  	_ =	shalt  }
0x75: {  	_ =	shalt  }
0x76: {  	_ =	shalt  }
0x77: {  	_ =	shalt  }
0x78: {  	_ =	shalt  }
0x79: {  	_ =	shalt  }
0x7a: {  	_ =	shalt  }
0x7b: {  	_ =	shalt  }
0x7c: {  	_ =	shalt  }
0x7d: {  	_ =	shalt  }
0x7e: {  	_ =	shalt  }
0x7f: {  	_ =	shalt  }
0x80: {  	_ =	shalt  }
0x81: {  	_ =	shalt  }
0x82: {  	_ =	shalt  }
0x83: {  	_ =	shalt  }
0x84: {  	_ =	shalt  }
0x85: {  	_ =	shalt  }
0x86: {  	_ =	shalt  }
0x87: {  	_ =	shalt  }
.Lfunc_end0:
.L_simem_size_0:
called_computation.1_lowered:
.L_overlay_start_0:
0x88: {  	s2 =	sld [smem:$0x3FD9]  }
0x89: {  	s3 =	sld [smem:$0x3FFE];
	_ =	sdelay $0x1  }
0x8a: {  	s1 =	srdreg.scid  }
0x8b: {  	s0 =	sand.u32 $0x1, s1  }
0x8c: {  	s17 =	sshll.u32 s0, $0xA;
	s2 =	sadd.s32 s3, s2  }
0x8d: {  	s2 =	sadd.s32 s2, s17  }
0x8e: {  	[smem:$0x3FBE] =	sst s2  }
0x8f: {  	_ = 	snop  }
0x90: {  	s2 =	sld [smem:$0x3FD0];
	(tm) =	ssettm $0x1  }
0x91: {  	s18 =	sld [smem:$0x3FFB];
	_ =	sdelay $0x3  }
0x92: {  	_ =	strace s18  }
0x93: {  	s3 =	sld [smem:$0x3FFC];
	_ =	sdelay $0x3  }
0x94: {  	_ =	strace s3  }
0x95: {  	s3 =	sld [smem:$0x3FFD];
	_ =	sdelay $0x3  }
0x96: {  	_ =	strace s3  }
0x97: {  	_ =	strace $0x8FFFFFFF  }
0x98: {  	s19 =	sld [smem:$0x3FDB];
	_ =	sdelay $0x1  }
0x99: {  	s4 =	simm.s32 $_scs_section_size  }
0x9a: {  	s5 =	simm.s32 $_size__tile_overlayer_lowered;
	s6 =	simm.s32 $_tile_overlayer_lowered  }
0x9b: {  	s22 =	simm.s32 $0x1BFF;
	s21 =	sshll.u32 s6, $0x1;
	s3 =	sadd.s32 s4, s19  }
0x9c: {  	s7 =	simm.s32 $0x0;
	s20 =	sshll.u32 s5, $0x1;
	s5 =	sadd.s32 s21, s3  }
0x9d: {  	[timem:s7], [sflag:s22] =	dma.local [hbm:s5], s20  }
0x9e: {  	_ =	swait.ge [sflag:s22], s20  }
0x9f: {  	s4 =	ssub.s32 $0x0, s20;
	[sflag:s22] =	ssyncset.done $0x0  }
0xa0: {  	[sflag:s22] =	ssyncadd.s32 s4;
	_ =	sdelay $0x1  }
0xa1: {  	s23 =	simm.s32 $0x1B8B  }
0xa2: {  	_ =	swait.ge [sflag:s23], $0x1  }
0xa3: {  	[sflag:s23] =	ssyncset.done $0x0  }
0xa4: {  	s25 =	simm.s32 $0x1B8E;
	s24 =	sld [smem:$0x3FFE];
	[sflag:s23] =	ssyncadd.s32 $0xFFFFFFFF  }
0xa5: {  	s26 =	simm.s32 $execute0_lowered;
	[smem:$0x3FD2] =	sst s25  }
0xa6: {  	s5 =	sshll.u32 s26, $0x1;
	_ =	strace $0x80000049;
	[dreg:$0x1] =	wrdreg $0xFFFFFFFF  }
0xa7: {  	s28 =	simm.s32 $_size_execute0_lowered;
	s3 =	sadd.s32 s3, s5;
	[dreg:$0x0] =	wrdreg $0x0  }
0xa8: {  	s5 =	sshll.u32 s28, $0x1;
	[dreg:$0x2] =	wrdreg s3  }
0xa9: {  	[dreg:$0x3] =	wrdreg s5  }
0xaa: {  	[dreg:$0x4] =	wrdreg $0xC0  }
0xab: {  	_ =	task [dreg:s7], $0x5FFFF  }
0xac: {  	[dreg:$0x1] =	wrdreg $0xFFFFFFFF  }
0xad: {  	[dreg:$0x0] =	wrdreg $0x60  }
0xae: {  	[dreg:$0x2] =	wrdreg s2  }
0xaf: {  	[dreg:$0x3] =	wrdreg s24  }
0xb0: {  	[dreg:$0x4] =	wrdreg $0xB7800  }
0xb1: {  	[dreg:$0x5] =	wrdreg $0x9  }
0xb2: {  	_ =	task.clear_ibuf [dreg:s7], $0x6FFFF;
	_ =	strace $0x90000049  }
0xb3: {  	s29 =	simm.s32 $0x9;
	_ =	strace $0x8000004B  }
0xb4: {  	_ =	swait.ge [sflag:s29], $0x1  }
0xb5: {  	[sflag:s29] =	ssyncadd.s32 $0xFFFFFFFF  }
0xb6: {  	_ =	strace $0x9000004B  }
0xb7: {  	_ =	sfence  }
0xb8: {  	s30 =	sld [smem:$0x0];
	_ =	sdelay $0x2  }
0xb9: {  	s31 =	sshll.u32 s1, $0xD;
	s1 =	sshrl.u32 s1, $0x2  }
0xba: {  	s3 =	sand.u32 $0x4000, s31;
	s1 =	sadd.s32 s1, s30  }
0xbb: {  	s0 =	sor.u32 s3, s0;
	s1 =	sshll.u32 s1, $0x11  }
0xbc: {  	s0 =	sor.u32 s1, s0  }
0xbd: {  	s0 =	sadd.s32 $0x8F2B, s0  }
0xbe: {  	[sflag:s0] =	ssyncadd.remote.s32 $0x1  }
0xbf: {  	_ =	sfence.sel $0xFFFF  }
0xc0: {  	[dreg:$0x0] =	wrdreg $0xFFFFFFFF;
	(pc) =	sbr.abs _section_cstart, $3  }
0xc1: {  	[dreg:$0x1] =	wrdreg $0xFFFFFFFF  }
0xc2: {  	_ =	task.clear_ibuf [dreg:s7], $0x2FFFF;
	_ =	strace $0x9FFFFFFF  }
0xc3: {  	(tm) =	ssettm $0x7FFFFFFF  }
tec
execute0_lowered:
.L_overlay_start_1:
0x0: {  	(tag) =	ssettag $0x1  }
0x1: {  	s0 =	srdreg.scid;
	s1 =	rddreg [dreg:$0x0]  }
0x2: {  	s9 =	stileid.u32;
	s5 =	rddreg [dreg:$0x1]  }
0x3: {  	s3 =	rddreg [dreg:$0x2];
	s4 =	simm.s32 $0x0;
	s17 =	simm.s32 $0x5  }
0x4: {  	s18 =	simm.s32 $0x2780;
	s19 =	simm.s32 $0x6780;
	s20 =	simm.s32 $0x50  }
0x5: {  	s21 =	simm.s32 $0x8F80;
	s22 =	simm.s32 $0x1;
	s23 =	simm.s32 $0x2  }
0x6: {  	s24 =	simm.s32 $0x3;
	s25 =	simm.s32 $0x4;
	s28 =	simm.s32 $0x26C0  }
0x7: {  	s29 =	simm.s32 $0x6580;
	s30 =	simm.s32 $0x0;
	s8 =	smul.u32 $0x14000, s9  }
0x8: {  	s0 =	sand.u32 $0x1, s0;
	s2 =	sshll.u32 s9, $0x1;
	s26 =	smul.u32 $0x50000, s9  }
0x9: {  	[smem:$0x7FF] =	sst s4;
	s2 =	sor.u32 s0, s2;
	s7 =	smul.u32 $0x140000, s0  }
0xa: {  	_ =	strace $0x8000004A;
	s0 =	ssub.s32 $0x2, s0;
	s6 =	smul.u32 $0x4E2, s2  }
0xb: {  	s2 =	sshll.u32 s2, $0xB;
	s31 =	sshrl.u32 s0, $0x1;
	s7 =	sadd.s32 s8, s7  }
0xc: {  	s2 =	sadd.s32 s2, s5;
	s0 =	ssub.s32 s0, s31;
	s8 =	sshrl.u32 s26, $0x2  }
0xd: {  	s6 =	sadd.s32 s6, s5;
	s7 =	sshrl.u32 s7, $0x3;
	s8 =	sadd.s32 s8, s3  }
0xe: {  	s9 =	smax.u32 s0, $0x1;
	s7 =	sadd.s32 s7, s5;
	s5 =	sadd.s32 $0x4200, s6  }
0xf: {  	s6 =	sadd.s32 $0x17E00, s2;
	s10 =	sadd.s32 $0x2800, s8;
	s11 =	sadd.s32 $0x5000, s8  }
0x10: {  	s12 =	sadd.s32 $0x7800, s8;
	s13 =	sadd.s32 $0xA000, s8;
	s14 =	sadd.s32 $0xC800, s8  }
0x11: {  	v0 =	vimm.f32 $0.0e+00;
	s15 =	sadd.s32 $0xF000, s8;
	s16 =	sadd.s32 $0x11800, s8;
	s7 =	sadd.s32 $0x27E00, s7  }
.LBB2_1:
0x12: {  	[tilespmem:s4], [sflag:$0x5] =	stream.linear.gather [hbm4b:s5+s4], $0x2710, $0x38;
	[tilespmem:$0x1F780] =	vst v63  }
0x13: {  	_ =	swait.ge [sflag:s17], $0x2710  }
0x14: {  	[sflag:s17] =	ssyncset.done $0x0  }
0x15: {  	[sflag:s17] =	ssyncadd.s32 $0xFFFFD8F0  }
0x16: {  	[tilespmem:s18], [sflag:$0x5] =	stream.linear.gather [hbm4b:s6+s4], $0x3E80, $0x38;
	[tilespmem:$0x1F780] =	vst v63  }
0x17: {  	s0 =	sand.u32 $0xFE00, s4;
	s31 =	sand.u32 $0x70, s4;
	_ =	swait.ge [sflag:s17], $0x3E80  }
0x18: {  	s2 =	simm.s32 $0x40;
	s0 =	sshrl.u32 s0, $0x2;
	[sflag:s17] =	ssyncset.done $0x0  }
0x19: {  	s0 =	sor.u32 s31, s0;
	s31 =	simm.s32 $0x0;
	[sflag:s17] =	ssyncadd.s32 $0xFFFFC180  }
.LBB2_2:
0x1a: {  	p0 =	sne.s32 s2, $0x9FC0  }
0x1b: {  	[tilespmem:s0+$0x6780] =	vst v0;
	s31 =	sadd.s32 $0x10, s31;
	s0 =	smov.u32 s2;
	s2 =	sadd.s32 $0x40, s2  }
.Ltmp0:
0x1c: {  	(pc) =	sbr.rel @p0 .LBB2_2-.Ltmp0, $4  }
0x1d: {  	_ = 	snop  }
0x1e: {  	s0 =	sand.u32 $0xFE00, s0  }
0x1f: {  	s26 =	sand.u32 $0x70, s31;
	s0 =	sshrl.u32 s0, $0x2  }
0x20: {  	s0 =	sor.u32 s26, s0  }
0x21: {  	[tilespmem:s0+$0x6780] =	vst v0  }
0x22: {  	[spmem:s8] =	stream.linear.scatter [tilespmem:s19], [sflag:$0x5], $0x2800, $0x38;
	[tilespmem:$0x1F780] =	vst v63  }
0x23: {  	_ =	swait.ge [sflag:s17], $0x2800  }
0x24: {  	[sflag:s17] =	ssyncset.done $0x0  }
0x25: {  	[sflag:s17] =	ssyncadd.s32 $0xFFFFD800  }
0x26: {  	[spmem:s10] =	stream.linear.scatter [tilespmem:s19], [sflag:$0x5], $0x2800, $0x38;
	[tilespmem:$0x1F780] =	vst v63  }
0x27: {  	_ =	swait.ge [sflag:s17], $0x2800  }
0x28: {  	[sflag:s17] =	ssyncset.done $0x0  }
0x29: {  	[sflag:s17] =	ssyncadd.s32 $0xFFFFD800  }
0x2a: {  	[spmem:s11] =	stream.linear.scatter [tilespmem:s19], [sflag:$0x5], $0x2800, $0x38;
	[tilespmem:$0x1F780] =	vst v63  }
0x2b: {  	_ =	swait.ge [sflag:s17], $0x2800  }
0x2c: {  	[sflag:s17] =	ssyncset.done $0x0  }
0x2d: {  	[sflag:s17] =	ssyncadd.s32 $0xFFFFD800  }
0x2e: {  	[spmem:s12] =	stream.linear.scatter [tilespmem:s19], [sflag:$0x5], $0x2800, $0x38;
	[tilespmem:$0x1F780] =	vst v63  }
0x2f: {  	_ =	swait.ge [sflag:s17], $0x2800  }
0x30: {  	[sflag:s17] =	ssyncset.done $0x0  }
0x31: {  	[sflag:s17] =	ssyncadd.s32 $0xFFFFD800  }
0x32: {  	[spmem:s13] =	stream.linear.scatter [tilespmem:s19], [sflag:$0x5], $0x2800, $0x38;
	[tilespmem:$0x1F780] =	vst v63  }
0x33: {  	_ =	swait.ge [sflag:s17], $0x2800  }
0x34: {  	[sflag:s17] =	ssyncset.done $0x0  }
0x35: {  	[sflag:s17] =	ssyncadd.s32 $0xFFFFD800  }
0x36: {  	[spmem:s14] =	stream.linear.scatter [tilespmem:s19], [sflag:$0x5], $0x2800, $0x38;
	[tilespmem:$0x1F780] =	vst v63  }
0x37: {  	_ =	swait.ge [sflag:s17], $0x2800  }
0x38: {  	[sflag:s17] =	ssyncset.done $0x0  }
0x39: {  	[sflag:s17] =	ssyncadd.s32 $0xFFFFD800  }
0x3a: {  	[spmem:s15] =	stream.linear.scatter [tilespmem:s19], [sflag:$0x5], $0x2800, $0x38;
	[tilespmem:$0x1F780] =	vst v63  }
0x3b: {  	_ =	swait.ge [sflag:s17], $0x2800  }
0x3c: {  	[sflag:s17] =	ssyncset.done $0x0  }
0x3d: {  	[sflag:s17] =	ssyncadd.s32 $0xFFFFD800  }
0x3e: {  	[spmem:s16] =	stream.linear.scatter [tilespmem:s19], [sflag:$0x5], $0x2800, $0x38;
	[tilespmem:$0x1F780] =	vst v63  }
0x3f: {  	_ =	swait.ge [sflag:s17], $0x2800  }
0x40: {  	[sflag:s17] =	ssyncset.done $0x0  }
0x41: {  	[sflag:s17] =	ssyncadd.s32 $0xFFFFD800  }
0x42: {  	[bflag:$0x0] =	sbarrier.arrive $0xFFFF  }
0x43: {  	[tilespmem:s19], [sflag:$0x1] =	stream.indirect.gather [hbm4b:s1+s20], $0x80, s4, s20, $0xb8;
	[tilespmem:$0x1F780] =	vst v63  }
0x44: {  	_ = 	snop  }
0x45: {  	[tilespmem:s21], [sflag:$0x2] =	stream.indirect.gather [hbm4b:s1+s20], $0x80, s20, s20, $0xb8;
	[tilespmem:$0x1F780] =	vst v63  }
0x46: {  	_ =	swait.ge [sflag:s22], $0x2800  }
0x47: {  	[sflag:s22] =	ssyncset.done $0x0  }
0x48: {  	[sflag:s22] =	ssyncadd.s32 $0xFFFFD800  }
0x49: {  	[spmem:s3] =	stream.indirect.scatter.add.f32 [tilespmem:s19], [sflag:$0x3], $0x80, s18, s20, $0xb8;
	[tilespmem:$0x1F780] =	vst v63  }
0x4a: {  	_ =	swait.ge [sflag:s23], $0x2800  }
0x4b: {  	[sflag:s23] =	ssyncset.done $0x0  }
0x4c: {  	s26 =	simm.s32 $0x2800;
	[sflag:s23] =	ssyncadd.s32 $0xFFFFD800  }
0x4d: {  	[spmem:s3] =	stream.indirect.scatter.add.f32 [tilespmem:s21], [sflag:$0x4], $0x80, s26, s20, $0xb8;
	[tilespmem:$0x1F780] =	vst v63  }
0x4e: {  	_ =	swait.ge [sflag:s24], $0x2800  }
0x4f: {  	[sflag:s24] =	ssyncset.done $0x0  }
0x50: {  	s2 =	simm.s32 $0xA0;
	[sflag:s24] =	ssyncadd.s32 $0xFFFFD800  }
0x51: {  	[tilespmem:s19], [sflag:$0x1] =	stream.indirect.gather [hbm4b:s1+s20], $0x80, s2, s20, $0xb8;
	[tilespmem:$0x1F780] =	vst v63  }
0x52: {  	_ =	swait.ge [sflag:s22], $0x2800  }
0x53: {  	[sflag:s22] =	ssyncset.done $0x0  }
0x54: {  	s26 =	simm.s32 $0x2880;
	[sflag:s22] =	ssyncadd.s32 $0xFFFFD800  }
0x55: {  	[spmem:s3] =	stream.indirect.scatter.add.f32 [tilespmem:s19], [sflag:$0x3], $0x80, s26, s20, $0xb8;
	[tilespmem:$0x1F780] =	vst v63  }
0x56: {  	_ =	swait.ge [sflag:s25], $0x2800  }
0x57: {  	s31 =	simm.s32 $0xFFFF1000;
	[sflag:s25] =	ssyncset.done $0x0  }
0x58: {  	s0 =	simm.s32 $0xF0;
	s2 =	simm.s32 $0x140;
	[sflag:s25] =	ssyncadd.s32 $0xFFFFD800  }
.LBB2_4:
0x59: {  	[tilespmem:s21], [sflag:$0x2] =	stream.indirect.gather [hbm4b:s1+s20], $0x80, s0, s20, $0xb8;
	[tilespmem:$0x1F780] =	vst v63  }
0x5a: {  	s0 =	smov.u32 s31  }
0x5b: {  	p0 =	sne.s32 s31, $0xFFFFFC00;
	s31 =	sadd.s32 $0x400, s31;
	_ =	swait.ge [sflag:s23], $0x2800  }
0x5c: {  	s0 =	sshra.s32 s0, $0x2;
	[sflag:s23] =	ssyncset.done $0x0  }
0x5d: {  	s26 =	sadd.s32 $0x6500, s0;
	[sflag:s23] =	ssyncadd.s32 $0xFFFFD800  }
0x5e: {  	[spmem:s3] =	stream.indirect.scatter.add.f32 [tilespmem:s21], [sflag:$0x4], $0x80, s26, s20, $0xb8;
	[tilespmem:$0x1F780] =	vst v63  }
0x5f: {  	_ =	swait.ge [sflag:s24], $0x2800  }
0x60: {  	[sflag:s24] =	ssyncset.done $0x0  }
0x61: {  	[sflag:s24] =	ssyncadd.s32 $0xFFFFD800  }
0x62: {  	[tilespmem:s19], [sflag:$0x1] =	stream.indirect.gather [hbm4b:s1+s20], $0x80, s2, s20, $0xb8;
	[tilespmem:$0x1F780] =	vst v63  }
0x63: {  	_ =	swait.ge [sflag:s22], $0x2800  }
0x64: {  	[sflag:s22] =	ssyncset.done $0x0  }
.Ltmp1:
0x65: {  	s0 =	sadd.s32 $0x6580, s0;
	[sflag:s22] =	ssyncadd.s32 $0xFFFFD800;
	(pc) =	sbr.rel @p0 .LBB2_4-.Ltmp1, $4  }
0x66: {  	[spmem:s3] =	stream.indirect.scatter.add.f32 [tilespmem:s19], [sflag:$0x3], $0x80, s0, s20, $0xb8;
	[tilespmem:$0x1F780] =	vst v63  }
0x67: {  	_ =	swait.ge [sflag:s25], $0x2800  }
0x68: {  	[sflag:s25] =	ssyncset.done $0x0  }
0x69: {  	s0 =	sadd.s32 $0x50, s2;
	s2 =	sadd.s32 $0xA0, s2;
	[sflag:s25] =	ssyncadd.s32 $0xFFFFD800  }
0x6a: {  	[tilespmem:s21], [sflag:$0x2] =	stream.indirect.gather [hbm4b:s1+s20], $0x80, s0, s20, $0xb8;
	[tilespmem:$0x1F780] =	vst v63  }
0x6b: {  	_ =	swait.ge [sflag:s23], $0x2800  }
0x6c: {  	[sflag:s23] =	ssyncset.done $0x0  }
0x6d: {  	s26 =	simm.s32 $0x6500;
	[sflag:s23] =	ssyncadd.s32 $0xFFFFD800  }
0x6e: {  	[spmem:s3] =	stream.indirect.scatter.add.f32 [tilespmem:s21], [sflag:$0x4], $0x80, s26, s20, $0xb8;
	[tilespmem:$0x1F780] =	vst v63  }
0x6f: {  	_ =	swait.ge [sflag:s24], $0x2800  }
0x70: {  	[sflag:s24] =	ssyncset.done $0x0  }
0x71: {  	[sflag:s24] =	ssyncadd.s32 $0xFFFFD800  }
0x72: {  	[tilespmem:s19], [sflag:$0x1] =	stream.indirect.gather [hbm4b:s1+s20], $0x80, s28, s20, $0xb8;
	[tilespmem:$0x1F780] =	vst v63  }
0x73: {  	_ =	swait.ge [sflag:s22], $0x2800  }
0x74: {  	[sflag:s22] =	ssyncset.done $0x0  }
0x75: {  	[sflag:s22] =	ssyncadd.s32 $0xFFFFD800  }
0x76: {  	[spmem:s3] =	stream.indirect.scatter.add.f32 [tilespmem:s19], [sflag:$0x3], $0x80, s29, s20, $0xb8;
	[tilespmem:$0x1F780] =	vst v63  }
0x77: {  	_ =	swait.ge [sflag:s25], $0x2800  }
0x78: {  	[sflag:s25] =	ssyncset.done $0x0  }
0x79: {  	[sflag:s25] =	ssyncadd.s32 $0xFFFFD800  }
0x7a: {  	s31 =	stileid.u32;
	_ =	swait.ge [sflag:s24], $0x2800  }
0x7b: {  	s2 =	sshrl.u32 s8, $0x3;
	s30 =	sadd.s32 $0x1, s30;
	[sflag:s24] =	ssyncset.done $0x0  }
0x7c: {  	s0 =	sshll.u32 s31, $0x6;
	p0 =	sne.s32 s30, s9;
	[sflag:s24] =	ssyncadd.s32 $0xFFFFD800  }
.Ltmp2:
0x7d: {  	s0 =	sor.u32 $0x1C05, s0;
	[bflag:$0x0] =	sbarrier.arrive $0xFFFF;
	(pc) =	sbr.rel @p0 .LBB2_1-.Ltmp2, $4  }
0x7e: {  	[hbm:s7], [sflag:s0] =	dma.local [spmem:s2], $0x2800  }
0x7f: {  	_ =	swait.ge [sflag:s17], $0x2800  }
0x80: {  	[sflag:s17] =	ssyncset.done $0x0  }
0x81: {  	[sflag:s17] =	ssyncadd.s32 $0xFFFFD800  }
0x82: {  	_ =	sfence.sel $0x180000  }
0x83: {  	[bflag:$0x0] =	sbarrier.arrive $0xFFFF  }
0x84: {  	_ =	strace $0x9000004A  }
0x85: {  	s0 =	stileid.u32;
	[bflag:$0x2] =	sbarrier.arrive $0xFFFF  }
0x86: {  	p0 =	sne.s32 s0, $0x0;
	s0 =	rddreg [dreg:$0x3]  }
0x87: {  	s0 =	sadd.s32 @!p0 $0x100000, s0  }
0x88: {  	[sflag:s0] =	ssyncadd.tile.s32 @!p0 $0x1;
	_ =	shalt  }
.Lfunc_end2:
_tile_overlayer_lowered:
.L_overlay_start_2:
0x89: {  	(tag) =	ssettag $0x2  }
0x8a: {  	s0 =	rddreg [dreg:$0x0];
	s2 =	stileid.u32  }
0x8b: {  	s1 =	rddreg [dreg:$0x1];
	p0 =	sne.s32 s2, $0x0  }
0x8c: {  	s3 =	rddreg [dreg:$0x2];
	[bflag:$0x3] =	sbarrier.arrive $0xFFFF;
	s2 =	simm.s32 @!p0 $0x1C05  }
0x8d: {  	[timem:s3], [sflag:s2] =	dma.local @!p0 [hbm:s0], s1  }
0x8e: {  	s0 =	simm.s32 @!p0 $0x5  }
0x8f: {  	_ =	swait.ge @!p0 [sflag:s0], s1  }
0x90: {  	s1 =	ssub.s32 @!p0 $0x0, s1;
	[sflag:s0] =	ssyncset.done @!p0 $0x0  }
0x91: {  	[sflag:s0] =	ssyncadd.s32 @!p0 s1  }
0x92: {  	[bflag:$0x3] =	sbarrier.arrive $0xFFFF  }
0x93: {  	_ =	shalt  }

// kernel: kernel.17.cloned.1.call-start
scs
__scs_entry_jumppad:
0x0: {  	(pc) =	sbr.rel $0x88, $3  }
0x1: {  	(tag) =	ssettag $0x0;
	lr =	simm.s32 $0x1  }
0x2: {  	[smem:$0x3F97] =	sst lr;
	_ =	strace $0xD0000000  }
0x3: {  	_ = 	snop  }
0x4: {  	_ = 	snop  }
0x5: {  	_ = 	snop  }
0x6: {  	_ = 	snop  }
0x7: {  	_ = 	snop  }
__scs_overlays_trampoline_lowered:
0x8: {  	[smem:$0x3FA6] =	sst s0  }
0x9: {  	[smem:$0x3FA7] =	sst s1  }
0xa: {  	[smem:$0x3FA8] =	sst s2  }
0xb: {  	[smem:$0x3FA9] =	sst s3  }
0xc: {  	[smem:$0x3FAA] =	sst s4  }
0xd: {  	[smem:$0x3FAB] =	sst s5  }
0xe: {  	[smem:$0x3FAC] =	sst s6  }
0xf: {  	[smem:$0x3FAD] =	sst s7  }
0x10: {  	[smem:$0x3FAE] =	sst s8  }
0x11: {  	[smem:$0x3FAF] =	sst s9;
	s0 =	simm.s32 @!p0 $0x0  }
0x12: {  	s1 =	sld [smem:$0x3F95];
	s0 =	simm.s32 @p0 $0x1  }
0x13: {  	[smem:$0x3FB0] =	sst s0;
	s0 =	simm.s32 @!p1 $0x0  }
0x14: {  	s2 =	sld [smem:$0x3F94];
	s0 =	simm.s32 @p1 $0x1  }
0x15: {  	[smem:$0x3FB1] =	sst s0;
	s0 =	simm.s32 @!p2 $0x0  }
0x16: {  	s3 =	sld [smem:$0x3FDB];
	s0 =	simm.s32 @p2 $0x1  }
0x17: {  	s4 =	simm.s32 $0x1BF5;
	[smem:$0x3FB3] =	sst s0  }
0x18: {  	s0 =	sld [smem:$0x3F96];
	_ =	swait.ge [sflag:s4], $0x0  }
0x19: {  	s7 =	sld [smem:$0x3F97]  }
0x1a: {  	s8 =	sadd.s32 $0xFFFFE003, lr  }
0x1b: {  	s9 =	sadd.s32 $0xFFFFFEF7, lr;
	s5 =	simm.s32 $0xFFFFFFFF;
	p2 =	slt.u32 s8, $0xFFFFF086  }
0x1c: {  	p1 =	slt.u32 s9, $0xF7A;
	s5 =	simm.s32 @!p2 $0x0  }
0x1d: {  	s5 =	simm.s32 @p1 $0x1;
	p0 =	seq.s32 s7, s2  }
0x1e: {  	s7 =	smul.u32 @!p0 $0xF7A, s2;
	p2 =	seq.s32 @!p0 s5, $0x0  }
0x1f: {  	s9 =	smul.u32 $0xF7A, s1;
	s8 =	simm.s32 @!p0 $0x1BF5;
	p2 =	por !p2, p0  }
0x20: {  	[sflag:s8] =	ssyncset.s32 @!p0 $0xFFFFF086;
	s6 =	sadd.s32 @!p0 s3, s7;
	s7 =	simm.s32 @!p0 $0x108  }
0x21: {  	s3 =	sadd.s32 s3, s9;
	s6 =	sadd.s32 @!p0 $0x88, s6;
	s7 =	simm.s32 @p2 $0x1082  }
0x22: {  	[simem:s7], [sflag:s8] =	dma.local @!p0 [hbm:s6], $0xF7A  }
0x23: {  	s9 =	sor.u32 $0xD0000000, s2;
	s6 =	simm.s32 $0x108;
	_ =	swait.ge @!p0 [sflag:s8], $0x0  }
0x24: {  	s3 =	sadd.s32 $0x88, s3;
	s6 =	simm.s32 @!p1 $0x1082;
	[sflag:s4] =	ssyncset.s32 $0xFFFFF086  }
0x25: {  	[simem:s6], [sflag:s4] =	dma.local [hbm:s3], $0xF7A  }
0x26: {  	[smem:$0x3F97] =	sst s1;
	(tag) =	ssettag s2;
	_ =	strace s9  }
0x27: {  	s1 =	sld [smem:$0x3FA7]  }
0x28: {  	s2 =	sld [smem:$0x3FA8]  }
0x29: {  	s4 =	sld [smem:$0x3FAA]  }
0x2a: {  	p0 =	seq.s32 s5, $0x0;
	s5 =	sld [smem:$0x3FAB]  }
0x2b: {  	s6 =	sld [smem:$0x3FAC]  }
0x2c: {  	s7 =	sld [smem:$0x3FAD]  }
0x2d: {  	s3 =	simm.s32 $0x108;
	s8 =	sld [smem:$0x3FAE]  }
0x2e: {  	s3 =	simm.s32 @!p0 $0x1082;
	s9 =	sld [smem:$0x3FAF]  }
0x2f: {  	lr =	sadd.s32 s0, s3;
	s0 =	sld [smem:$0x3FA6]  }
0x30: {  	s3 =	sld [smem:$0x3FA9]  }
0x31: {  	[smem:$0x3FB2] =	sst s10  }
0x32: {  	s10 =	sld [smem:$0x3FB0];
	_ =	sdelay $0x3  }
0x33: {  	p0 =	seq.s32 s10, $0x1;
	s10 =	sld [smem:$0x3FB2];
	_ =	sdelay $0x3  }
0x34: {  	[smem:$0x3FB2] =	sst s10  }
0x35: {  	s10 =	sld [smem:$0x3FB1];
	_ =	sdelay $0x3  }
0x36: {  	p1 =	seq.s32 s10, $0x1;
	s10 =	sld [smem:$0x3FB2];
	_ =	sdelay $0x3  }
0x37: {  	[smem:$0x3FB2] =	sst s10  }
0x38: {  	s10 =	sld [smem:$0x3FB3]  }
0x39: {  	_ = 	snop;
	(pc) =	sbr.ind lr, $3  }
0x3a: {  	_ = 	snop  }
0x3b: {  	_ = 	snop  }
0x3c: {  	p2 =	seq.s32 s10, $0x1;
	s10 =	sld [smem:$0x3FB2]  }
0x3d: {  	_ =	shalt  }
0x3e: {  	_ =	shalt  }
0x3f: {  	_ =	shalt  }
0x40: {  	_ =	shalt  }
0x41: {  	_ =	shalt  }
0x42: {  	_ =	shalt  }
0x43: {  	_ =	shalt  }
0x44: {  	_ =	shalt  }
0x45: {  	_ =	shalt  }
0x46: {  	_ =	shalt  }
0x47: {  	_ =	shalt  }
0x48: {  	_ =	shalt  }
0x49: {  	_ =	shalt  }
0x4a: {  	_ =	shalt  }
0x4b: {  	_ =	shalt  }
0x4c: {  	_ =	shalt  }
0x4d: {  	_ =	shalt  }
0x4e: {  	_ =	shalt  }
0x4f: {  	_ =	shalt  }
0x50: {  	_ =	shalt  }
0x51: {  	_ =	shalt  }
0x52: {  	_ =	shalt  }
0x53: {  	_ =	shalt  }
0x54: {  	_ =	shalt  }
0x55: {  	_ =	shalt  }
0x56: {  	_ =	shalt  }
0x57: {  	_ =	shalt  }
0x58: {  	_ =	shalt  }
0x59: {  	_ =	shalt  }
0x5a: {  	_ =	shalt  }
0x5b: {  	_ =	shalt  }
0x5c: {  	_ =	shalt  }
0x5d: {  	_ =	shalt  }
0x5e: {  	_ =	shalt  }
0x5f: {  	_ =	shalt  }
0x60: {  	_ =	shalt  }
0x61: {  	_ =	shalt  }
0x62: {  	_ =	shalt  }
0x63: {  	_ =	shalt  }
0x64: {  	_ =	shalt  }
0x65: {  	_ =	shalt  }
0x66: {  	_ =	shalt  }
0x67: {  	_ =	shalt  }
0x68: {  	_ =	shalt  }
0x69: {  	_ =	shalt  }
0x6a: {  	_ =	shalt  }
0x6b: {  	_ =	shalt  }
0x6c: {  	_ =	shalt  }
0x6d: {  	_ =	shalt  }
0x6e: {  	_ =	shalt  }
0x6f: {  	_ =	shalt  }
0x70: {  	_ =	shalt  }
0x71: {  	_ =	shalt  }
0x72: {  	_ =	shalt  }
0x73: {  	_ =	shalt  }
0x74: {  	_ =	shalt  }
0x75: {  	_ =	shalt  }
0x76: {  	_ =	shalt  }
0x77: {  	_ =	shalt  }
0x78: {  	_ =	shalt  }
0x79: {  	_ =	shalt  }
0x7a: {  	_ =	shalt  }
0x7b: {  	_ =	shalt  }
0x7c: {  	_ =	shalt  }
0x7d: {  	_ =	shalt  }
0x7e: {  	_ =	shalt  }
0x7f: {  	_ =	shalt  }
0x80: {  	_ =	shalt  }
0x81: {  	_ =	shalt  }
0x82: {  	_ =	shalt  }
0x83: {  	_ =	shalt  }
0x84: {  	_ =	shalt  }
0x85: {  	_ =	shalt  }
0x86: {  	_ =	shalt  }
0x87: {  	_ =	shalt  }
.Lfunc_end0:
.L_simem_size_0:
called_computation.2_lowered:
.L_overlay_start_0:
0x88: {  	s2 =	sld [smem:$0x3FD9]  }
0x89: {  	s3 =	sld [smem:$0x3FFE];
	_ =	sdelay $0x1  }
0x8a: {  	s1 =	srdreg.scid  }
0x8b: {  	s0 =	sand.u32 $0x1, s1  }
0x8c: {  	s17 =	sshll.u32 s0, $0xA;
	s2 =	sadd.s32 s3, s2  }
0x8d: {  	s2 =	sadd.s32 s2, s17  }
0x8e: {  	[smem:$0x3FBE] =	sst s2  }
0x8f: {  	_ = 	snop  }
0x90: {  	s2 =	sld [smem:$0x3FD0];
	(tm) =	ssettm $0x1  }
0x91: {  	s18 =	sld [smem:$0x3FFB];
	_ =	sdelay $0x3  }
0x92: {  	_ =	strace s18  }
0x93: {  	s3 =	sld [smem:$0x3FFC];
	_ =	sdelay $0x3  }
0x94: {  	_ =	strace s3  }
0x95: {  	s3 =	sld [smem:$0x3FFD];
	_ =	sdelay $0x3  }
0x96: {  	_ =	strace s3  }
0x97: {  	_ =	strace $0x8FFFFFFF  }
0x98: {  	s19 =	sld [smem:$0x3FDB];
	_ =	sdelay $0x1  }
0x99: {  	s4 =	simm.s32 $_scs_section_size  }
0x9a: {  	s5 =	simm.s32 $_size__tile_overlayer_lowered;
	s6 =	simm.s32 $_tile_overlayer_lowered  }
0x9b: {  	s22 =	simm.s32 $0x1BFF;
	s21 =	sshll.u32 s6, $0x1;
	s3 =	sadd.s32 s4, s19  }
0x9c: {  	s7 =	simm.s32 $0x0;
	s20 =	sshll.u32 s5, $0x1;
	s5 =	sadd.s32 s21, s3  }
0x9d: {  	[timem:s7], [sflag:s22] =	dma.local [hbm:s5], s20  }
0x9e: {  	_ =	swait.ge [sflag:s22], s20  }
0x9f: {  	s4 =	ssub.s32 $0x0, s20;
	[sflag:s22] =	ssyncset.done $0x0  }
0xa0: {  	[sflag:s22] =	ssyncadd.s32 s4;
	_ =	sdelay $0x1  }
0xa1: {  	s23 =	simm.s32 $0x1B8B  }
0xa2: {  	_ =	swait.ge [sflag:s23], $0x1  }
0xa3: {  	[sflag:s23] =	ssyncset.done $0x0  }
0xa4: {  	s25 =	simm.s32 $0x1B8E;
	s24 =	sld [smem:$0x3FFE];
	[sflag:s23] =	ssyncadd.s32 $0xFFFFFFFF  }
0xa5: {  	s26 =	simm.s32 $execute0_lowered;
	[smem:$0x3FD2] =	sst s25  }
0xa6: {  	s5 =	sshll.u32 s26, $0x1;
	_ =	strace $0x8000004C;
	[dreg:$0x1] =	wrdreg $0xFFFFFFFF  }
0xa7: {  	s28 =	simm.s32 $_size_execute0_lowered;
	s3 =	sadd.s32 s3, s5;
	[dreg:$0x0] =	wrdreg $0x0  }
0xa8: {  	s5 =	sshll.u32 s28, $0x1;
	[dreg:$0x2] =	wrdreg s3  }
0xa9: {  	[dreg:$0x3] =	wrdreg s5  }
0xaa: {  	[dreg:$0x4] =	wrdreg $0xC0  }
0xab: {  	_ =	task [dreg:s7], $0x5FFFF  }
0xac: {  	[dreg:$0x1] =	wrdreg $0xFFFFFFFF  }
0xad: {  	[dreg:$0x0] =	wrdreg $0x60  }
0xae: {  	[dreg:$0x2] =	wrdreg s2  }
0xaf: {  	[dreg:$0x3] =	wrdreg s24  }
0xb0: {  	[dreg:$0x4] =	wrdreg $0xB7800  }
0xb1: {  	[dreg:$0x5] =	wrdreg $0x9  }
0xb2: {  	_ =	task.clear_ibuf [dreg:s7], $0x6FFFF;
	_ =	strace $0x9000004C  }
0xb3: {  	s29 =	simm.s32 $0x9;
	_ =	strace $0x8000004E  }
0xb4: {  	_ =	swait.ge [sflag:s29], $0x1  }
0xb5: {  	[sflag:s29] =	ssyncadd.s32 $0xFFFFFFFF  }
0xb6: {  	_ =	strace $0x9000004E  }
0xb7: {  	_ =	sfence  }
0xb8: {  	s30 =	sld [smem:$0x0];
	_ =	sdelay $0x2  }
0xb9: {  	s31 =	sshll.u32 s1, $0xD;
	s1 =	sshrl.u32 s1, $0x2  }
0xba: {  	s3 =	sand.u32 $0x4000, s31;
	s1 =	sadd.s32 s1, s30  }
0xbb: {  	s0 =	sor.u32 s3, s0;
	s1 =	sshll.u32 s1, $0x11  }
0xbc: {  	s0 =	sor.u32 s1, s0  }
0xbd: {  	s0 =	sadd.s32 $0x8F2B, s0  }
0xbe: {  	[sflag:s0] =	ssyncadd.remote.s32 $0x1  }
0xbf: {  	_ =	sfence.sel $0xFFFF  }
0xc0: {  	[dreg:$0x0] =	wrdreg $0xFFFFFFFF;
	(pc) =	sbr.abs _section_cstart, $3  }
0xc1: {  	[dreg:$0x1] =	wrdreg $0xFFFFFFFF  }
0xc2: {  	_ =	task.clear_ibuf [dreg:s7], $0x2FFFF;
	_ =	strace $0x9FFFFFFF  }
0xc3: {  	(tm) =	ssettm $0x7FFFFFFF  }
tec
execute0_lowered:
.L_overlay_start_1:
0x0: {  	(tag) =	ssettag $0x1  }
0x1: {  	s0 =	srdreg.scid;
	s1 =	rddreg [dreg:$0x0]  }
0x2: {  	s9 =	stileid.u32;
	s5 =	rddreg [dreg:$0x1]  }
0x3: {  	s3 =	rddreg [dreg:$0x2];
	s4 =	simm.s32 $0x0;
	s17 =	simm.s32 $0x5  }
0x4: {  	s18 =	simm.s32 $0x2780;
	s19 =	simm.s32 $0x6780;
	s20 =	simm.s32 $0x50  }
0x5: {  	s21 =	simm.s32 $0x8F80;
	s22 =	simm.s32 $0x1;
	s23 =	simm.s32 $0x2  }
0x6: {  	s24 =	simm.s32 $0x3;
	s25 =	simm.s32 $0x4;
	s28 =	simm.s32 $0x26C0  }
0x7: {  	s29 =	simm.s32 $0x6580;
	s30 =	simm.s32 $0x0;
	s8 =	smul.u32 $0x14000, s9  }
0x8: {  	s0 =	sand.u32 $0x1, s0;
	s2 =	sshll.u32 s9, $0x1;
	s26 =	smul.u32 $0x50000, s9  }
0x9: {  	[smem:$0x7FF] =	sst s4;
	s2 =	sor.u32 s0, s2;
	s7 =	smul.u32 $0x140000, s0  }
0xa: {  	_ =	strace $0x8000004D;
	s0 =	ssub.s32 $0x2, s0;
	s6 =	smul.u32 $0x4E2, s2  }
0xb: {  	s2 =	sshll.u32 s2, $0xB;
	s31 =	sshrl.u32 s0, $0x1;
	s7 =	sadd.s32 s8, s7  }
0xc: {  	s2 =	sadd.s32 s2, s5;
	s0 =	ssub.s32 s0, s31;
	s8 =	sshrl.u32 s26, $0x2  }
0xd: {  	s6 =	sadd.s32 s6, s5;
	s7 =	sshrl.u32 s7, $0x3;
	s8 =	sadd.s32 s8, s3  }
0xe: {  	s9 =	smax.u32 s0, $0x1;
	s7 =	sadd.s32 s7, s5;
	s5 =	sadd.s32 $0x4200, s6  }
0xf: {  	s6 =	sadd.s32 $0x17E00, s2;
	s10 =	sadd.s32 $0x2800, s8;
	s11 =	sadd.s32 $0x5000, s8  }
0x10: {  	s12 =	sadd.s32 $0x7800, s8;
	s13 =	sadd.s32 $0xA000, s8;
	s14 =	sadd.s32 $0xC800, s8  }
0x11: {  	v0 =	vimm.f32 $0.0e+00;
	s15 =	sadd.s32 $0xF000, s8;
	s16 =	sadd.s32 $0x11800, s8;
	s7 =	sadd.s32 $0x27E00, s7  }
.LBB2_1:
0x12: {  	[tilespmem:s4], [sflag:$0x5] =	stream.linear.gather [hbm4b:s5+s4], $0x2710, $0x38;
	[tilespmem:$0x1F780] =	vst v63  }
0x13: {  	_ =	swait.ge [sflag:s17], $0x2710  }
0x14: {  	[sflag:s17] =	ssyncset.done $0x0  }
0x15: {  	[sflag:s17] =	ssyncadd.s32 $0xFFFFD8F0  }
0x16: {  	[tilespmem:s18], [sflag:$0x5] =	stream.linear.gather [hbm4b:s6+s4], $0x3E80, $0x38;
	[tilespmem:$0x1F780] =	vst v63  }
0x17: {  	s0 =	sand.u32 $0xFE00, s4;
	s31 =	sand.u32 $0x70, s4;
	_ =	swait.ge [sflag:s17], $0x3E80  }
0x18: {  	s2 =	simm.s32 $0x40;
	s0 =	sshrl.u32 s0, $0x2;
	[sflag:s17] =	ssyncset.done $0x0  }
0x19: {  	s0 =	sor.u32 s31, s0;
	s31 =	simm.s32 $0x0;
	[sflag:s17] =	ssyncadd.s32 $0xFFFFC180  }
.LBB2_2:
0x1a: {  	p0 =	sne.s32 s2, $0x9FC0  }
0x1b: {  	[tilespmem:s0+$0x6780] =	vst v0;
	s31 =	sadd.s32 $0x10, s31;
	s0 =	smov.u32 s2;
	s2 =	sadd.s32 $0x40, s2  }
.Ltmp0:
0x1c: {  	(pc) =	sbr.rel @p0 .LBB2_2-.Ltmp0, $4  }
0x1d: {  	_ = 	snop  }
0x1e: {  	s0 =	sand.u32 $0xFE00, s0  }
0x1f: {  	s26 =	sand.u32 $0x70, s31;
	s0 =	sshrl.u32 s0, $0x2  }
0x20: {  	s0 =	sor.u32 s26, s0  }
0x21: {  	[tilespmem:s0+$0x6780] =	vst v0  }
0x22: {  	[spmem:s8] =	stream.linear.scatter [tilespmem:s19], [sflag:$0x5], $0x2800, $0x38;
	[tilespmem:$0x1F780] =	vst v63  }
0x23: {  	_ =	swait.ge [sflag:s17], $0x2800  }
0x24: {  	[sflag:s17] =	ssyncset.done $0x0  }
0x25: {  	[sflag:s17] =	ssyncadd.s32 $0xFFFFD800  }
0x26: {  	[spmem:s10] =	stream.linear.scatter [tilespmem:s19], [sflag:$0x5], $0x2800, $0x38;
	[tilespmem:$0x1F780] =	vst v63  }
0x27: {  	_ =	swait.ge [sflag:s17], $0x2800  }
0x28: {  	[sflag:s17] =	ssyncset.done $0x0  }
0x29: {  	[sflag:s17] =	ssyncadd.s32 $0xFFFFD800  }
0x2a: {  	[spmem:s11] =	stream.linear.scatter [tilespmem:s19], [sflag:$0x5], $0x2800, $0x38;
	[tilespmem:$0x1F780] =	vst v63  }
0x2b: {  	_ =	swait.ge [sflag:s17], $0x2800  }
0x2c: {  	[sflag:s17] =	ssyncset.done $0x0  }
0x2d: {  	[sflag:s17] =	ssyncadd.s32 $0xFFFFD800  }
0x2e: {  	[spmem:s12] =	stream.linear.scatter [tilespmem:s19], [sflag:$0x5], $0x2800, $0x38;
	[tilespmem:$0x1F780] =	vst v63  }
0x2f: {  	_ =	swait.ge [sflag:s17], $0x2800  }
0x30: {  	[sflag:s17] =	ssyncset.done $0x0  }
0x31: {  	[sflag:s17] =	ssyncadd.s32 $0xFFFFD800  }
0x32: {  	[spmem:s13] =	stream.linear.scatter [tilespmem:s19], [sflag:$0x5], $0x2800, $0x38;
	[tilespmem:$0x1F780] =	vst v63  }
0x33: {  	_ =	swait.ge [sflag:s17], $0x2800  }
0x34: {  	[sflag:s17] =	ssyncset.done $0x0  }
0x35: {  	[sflag:s17] =	ssyncadd.s32 $0xFFFFD800  }
0x36: {  	[spmem:s14] =	stream.linear.scatter [tilespmem:s19], [sflag:$0x5], $0x2800, $0x38;
	[tilespmem:$0x1F780] =	vst v63  }
0x37: {  	_ =	swait.ge [sflag:s17], $0x2800  }
0x38: {  	[sflag:s17] =	ssyncset.done $0x0  }
0x39: {  	[sflag:s17] =	ssyncadd.s32 $0xFFFFD800  }
0x3a: {  	[spmem:s15] =	stream.linear.scatter [tilespmem:s19], [sflag:$0x5], $0x2800, $0x38;
	[tilespmem:$0x1F780] =	vst v63  }
0x3b: {  	_ =	swait.ge [sflag:s17], $0x2800  }
0x3c: {  	[sflag:s17] =	ssyncset.done $0x0  }
0x3d: {  	[sflag:s17] =	ssyncadd.s32 $0xFFFFD800  }
0x3e: {  	[spmem:s16] =	stream.linear.scatter [tilespmem:s19], [sflag:$0x5], $0x2800, $0x38;
	[tilespmem:$0x1F780] =	vst v63  }
0x3f: {  	_ =	swait.ge [sflag:s17], $0x2800  }
0x40: {  	[sflag:s17] =	ssyncset.done $0x0  }
0x41: {  	[sflag:s17] =	ssyncadd.s32 $0xFFFFD800  }
0x42: {  	[bflag:$0x0] =	sbarrier.arrive $0xFFFF  }
0x43: {  	[tilespmem:s19], [sflag:$0x1] =	stream.indirect.gather [hbm4b:s1+s20], $0x80, s4, s20, $0xb8;
	[tilespmem:$0x1F780] =	vst v63  }
0x44: {  	_ = 	snop  }
0x45: {  	[tilespmem:s21], [sflag:$0x2] =	stream.indirect.gather [hbm4b:s1+s20], $0x80, s20, s20, $0xb8;
	[tilespmem:$0x1F780] =	vst v63  }
0x46: {  	_ =	swait.ge [sflag:s22], $0x2800  }
0x47: {  	[sflag:s22] =	ssyncset.done $0x0  }
0x48: {  	[sflag:s22] =	ssyncadd.s32 $0xFFFFD800  }
0x49: {  	[spmem:s3] =	stream.indirect.scatter.add.f32 [tilespmem:s19], [sflag:$0x3], $0x80, s18, s20, $0xb8;
	[tilespmem:$0x1F780] =	vst v63  }
0x4a: {  	_ =	swait.ge [sflag:s23], $0x2800  }
0x4b: {  	[sflag:s23] =	ssyncset.done $0x0  }
0x4c: {  	s26 =	simm.s32 $0x2800;
	[sflag:s23] =	ssyncadd.s32 $0xFFFFD800  }
0x4d: {  	[spmem:s3] =	stream.indirect.scatter.add.f32 [tilespmem:s21], [sflag:$0x4], $0x80, s26, s20, $0xb8;
	[tilespmem:$0x1F780] =	vst v63  }
0x4e: {  	_ =	swait.ge [sflag:s24], $0x2800  }
0x4f: {  	[sflag:s24] =	ssyncset.done $0x0  }
0x50: {  	s2 =	simm.s32 $0xA0;
	[sflag:s24] =	ssyncadd.s32 $0xFFFFD800  }
0x51: {  	[tilespmem:s19], [sflag:$0x1] =	stream.indirect.gather [hbm4b:s1+s20], $0x80, s2, s20, $0xb8;
	[tilespmem:$0x1F780] =	vst v63  }
0x52: {  	_ =	swait.ge [sflag:s22], $0x2800  }
0x53: {  	[sflag:s22] =	ssyncset.done $0x0  }
0x54: {  	s26 =	simm.s32 $0x2880;
	[sflag:s22] =	ssyncadd.s32 $0xFFFFD800  }
0x55: {  	[spmem:s3] =	stream.indirect.scatter.add.f32 [tilespmem:s19], [sflag:$0x3], $0x80, s26, s20, $0xb8;
	[tilespmem:$0x1F780] =	vst v63  }
0x56: {  	_ =	swait.ge [sflag:s25], $0x2800  }
0x57: {  	s31 =	simm.s32 $0xFFFF1000;
	[sflag:s25] =	ssyncset.done $0x0  }
0x58: {  	s0 =	simm.s32 $0xF0;
	s2 =	simm.s32 $0x140;
	[sflag:s25] =	ssyncadd.s32 $0xFFFFD800  }
.LBB2_4:
0x59: {  	[tilespmem:s21], [sflag:$0x2] =	stream.indirect.gather [hbm4b:s1+s20], $0x80, s0, s20, $0xb8;
	[tilespmem:$0x1F780] =	vst v63  }
0x5a: {  	s0 =	smov.u32 s31  }
0x5b: {  	p0 =	sne.s32 s31, $0xFFFFFC00;
	s31 =	sadd.s32 $0x400, s31;
	_ =	swait.ge [sflag:s23], $0x2800  }
0x5c: {  	s0 =	sshra.s32 s0, $0x2;
	[sflag:s23] =	ssyncset.done $0x0  }
0x5d: {  	s26 =	sadd.s32 $0x6500, s0;
	[sflag:s23] =	ssyncadd.s32 $0xFFFFD800  }
0x5e: {  	[spmem:s3] =	stream.indirect.scatter.add.f32 [tilespmem:s21], [sflag:$0x4], $0x80, s26, s20, $0xb8;
	[tilespmem:$0x1F780] =	vst v63  }
0x5f: {  	_ =	swait.ge [sflag:s24], $0x2800  }
0x60: {  	[sflag:s24] =	ssyncset.done $0x0  }
0x61: {  	[sflag:s24] =	ssyncadd.s32 $0xFFFFD800  }
0x62: {  	[tilespmem:s19], [sflag:$0x1] =	stream.indirect.gather [hbm4b:s1+s20], $0x80, s2, s20, $0xb8;
	[tilespmem:$0x1F780] =	vst v63  }
0x63: {  	_ =	swait.ge [sflag:s22], $0x2800  }
0x64: {  	[sflag:s22] =	ssyncset.done $0x0  }
.Ltmp1:
0x65: {  	s0 =	sadd.s32 $0x6580, s0;
	[sflag:s22] =	ssyncadd.s32 $0xFFFFD800;
	(pc) =	sbr.rel @p0 .LBB2_4-.Ltmp1, $4  }
0x66: {  	[spmem:s3] =	stream.indirect.scatter.add.f32 [tilespmem:s19], [sflag:$0x3], $0x80, s0, s20, $0xb8;
	[tilespmem:$0x1F780] =	vst v63  }
0x67: {  	_ =	swait.ge [sflag:s25], $0x2800  }
0x68: {  	[sflag:s25] =	ssyncset.done $0x0  }
0x69: {  	s0 =	sadd.s32 $0x50, s2;
	s2 =	sadd.s32 $0xA0, s2;
	[sflag:s25] =	ssyncadd.s32 $0xFFFFD800  }
0x6a: {  	[tilespmem:s21], [sflag:$0x2] =	stream.indirect.gather [hbm4b:s1+s20], $0x80, s0, s20, $0xb8;
	[tilespmem:$0x1F780] =	vst v63  }
0x6b: {  	_ =	swait.ge [sflag:s23], $0x2800  }
0x6c: {  	[sflag:s23] =	ssyncset.done $0x0  }
0x6d: {  	s26 =	simm.s32 $0x6500;
	[sflag:s23] =	ssyncadd.s32 $0xFFFFD800  }
0x6e: {  	[spmem:s3] =	stream.indirect.scatter.add.f32 [tilespmem:s21], [sflag:$0x4], $0x80, s26, s20, $0xb8;
	[tilespmem:$0x1F780] =	vst v63  }
0x6f: {  	_ =	swait.ge [sflag:s24], $0x2800  }
0x70: {  	[sflag:s24] =	ssyncset.done $0x0  }
0x71: {  	[sflag:s24] =	ssyncadd.s32 $0xFFFFD800  }
0x72: {  	[tilespmem:s19], [sflag:$0x1] =	stream.indirect.gather [hbm4b:s1+s20], $0x80, s28, s20, $0xb8;
	[tilespmem:$0x1F780] =	vst v63  }
0x73: {  	_ =	swait.ge [sflag:s22], $0x2800  }
0x74: {  	[sflag:s22] =	ssyncset.done $0x0  }
0x75: {  	[sflag:s22] =	ssyncadd.s32 $0xFFFFD800  }
0x76: {  	[spmem:s3] =	stream.indirect.scatter.add.f32 [tilespmem:s19], [sflag:$0x3], $0x80, s29, s20, $0xb8;
	[tilespmem:$0x1F780] =	vst v63  }
0x77: {  	_ =	swait.ge [sflag:s25], $0x2800  }
0x78: {  	[sflag:s25] =	ssyncset.done $0x0  }
0x79: {  	[sflag:s25] =	ssyncadd.s32 $0xFFFFD800  }
0x7a: {  	s31 =	stileid.u32;
	_ =	swait.ge [sflag:s24], $0x2800  }
0x7b: {  	s2 =	sshrl.u32 s8, $0x3;
	s30 =	sadd.s32 $0x1, s30;
	[sflag:s24] =	ssyncset.done $0x0  }
0x7c: {  	s0 =	sshll.u32 s31, $0x6;
	p0 =	sne.s32 s30, s9;
	[sflag:s24] =	ssyncadd.s32 $0xFFFFD800  }
.Ltmp2:
0x7d: {  	s0 =	sor.u32 $0x1C05, s0;
	[bflag:$0x0] =	sbarrier.arrive $0xFFFF;
	(pc) =	sbr.rel @p0 .LBB2_1-.Ltmp2, $4  }
0x7e: {  	[hbm:s7], [sflag:s0] =	dma.local [spmem:s2], $0x2800  }
0x7f: {  	_ =	swait.ge [sflag:s17], $0x2800  }
0x80: {  	[sflag:s17] =	ssyncset.done $0x0  }
0x81: {  	[sflag:s17] =	ssyncadd.s32 $0xFFFFD800  }
0x82: {  	_ =	sfence.sel $0x180000  }
0x83: {  	[bflag:$0x0] =	sbarrier.arrive $0xFFFF  }
0x84: {  	_ =	strace $0x9000004D  }
0x85: {  	s0 =	stileid.u32;
	[bflag:$0x2] =	sbarrier.arrive $0xFFFF  }
0x86: {  	p0 =	sne.s32 s0, $0x0;
	s0 =	rddreg [dreg:$0x3]  }
0x87: {  	s0 =	sadd.s32 @!p0 $0x100000, s0  }
0x88: {  	[sflag:s0] =	ssyncadd.tile.s32 @!p0 $0x1;
	_ =	shalt  }
.Lfunc_end2:
_tile_overlayer_lowered:
.L_overlay_start_2:
0x89: {  	(tag) =	ssettag $0x2  }
0x8a: {  	s0 =	rddreg [dreg:$0x0];
	s2 =	stileid.u32  }
0x8b: {  	s1 =	rddreg [dreg:$0x1];
	p0 =	sne.s32 s2, $0x0  }
0x8c: {  	s3 =	rddreg [dreg:$0x2];
	[bflag:$0x3] =	sbarrier.arrive $0xFFFF;
	s2 =	simm.s32 @!p0 $0x1C05  }
0x8d: {  	[timem:s3], [sflag:s2] =	dma.local @!p0 [hbm:s0], s1  }
0x8e: {  	s0 =	simm.s32 @!p0 $0x5  }
0x8f: {  	_ =	swait.ge @!p0 [sflag:s0], s1  }
0x90: {  	s1 =	ssub.s32 @!p0 $0x0, s1;
	[sflag:s0] =	ssyncset.done @!p0 $0x0  }
0x91: {  	[sflag:s0] =	ssyncadd.s32 @!p0 s1  }
0x92: {  	[bflag:$0x3] =	sbarrier.arrive $0xFFFF  }
0x93: {  	_ =	shalt  }

// kernel: kernel.20.cloned.1.call-start
scs
__scs_entry_jumppad:
0x0: {  	(pc) =	sbr.rel $0x88, $3  }
0x1: {  	(tag) =	ssettag $0x0;
	lr =	simm.s32 $0x1  }
0x2: {  	[smem:$0x3F97] =	sst lr;
	_ =	strace $0xD0000000  }
0x3: {  	_ = 	snop  }
0x4: {  	_ = 	snop  }
0x5: {  	_ = 	snop  }
0x6: {  	_ = 	snop  }
0x7: {  	_ = 	snop  }
__scs_overlays_trampoline_lowered:
0x8: {  	[smem:$0x3FA6] =	sst s0  }
0x9: {  	[smem:$0x3FA7] =	sst s1  }
0xa: {  	[smem:$0x3FA8] =	sst s2  }
0xb: {  	[smem:$0x3FA9] =	sst s3  }
0xc: {  	[smem:$0x3FAA] =	sst s4  }
0xd: {  	[smem:$0x3FAB] =	sst s5  }
0xe: {  	[smem:$0x3FAC] =	sst s6  }
0xf: {  	[smem:$0x3FAD] =	sst s7  }
0x10: {  	[smem:$0x3FAE] =	sst s8  }
0x11: {  	[smem:$0x3FAF] =	sst s9;
	s0 =	simm.s32 @!p0 $0x0  }
0x12: {  	s1 =	sld [smem:$0x3F95];
	s0 =	simm.s32 @p0 $0x1  }
0x13: {  	[smem:$0x3FB0] =	sst s0;
	s0 =	simm.s32 @!p1 $0x0  }
0x14: {  	s2 =	sld [smem:$0x3F94];
	s0 =	simm.s32 @p1 $0x1  }
0x15: {  	[smem:$0x3FB1] =	sst s0;
	s0 =	simm.s32 @!p2 $0x0  }
0x16: {  	s3 =	sld [smem:$0x3FDB];
	s0 =	simm.s32 @p2 $0x1  }
0x17: {  	s4 =	simm.s32 $0x1BF5;
	[smem:$0x3FB3] =	sst s0  }
0x18: {  	s0 =	sld [smem:$0x3F96];
	_ =	swait.ge [sflag:s4], $0x0  }
0x19: {  	s7 =	sld [smem:$0x3F97]  }
0x1a: {  	s8 =	sadd.s32 $0xFFFFE003, lr  }
0x1b: {  	s9 =	sadd.s32 $0xFFFFFEF7, lr;
	s5 =	simm.s32 $0xFFFFFFFF;
	p2 =	slt.u32 s8, $0xFFFFF086  }
0x1c: {  	p1 =	slt.u32 s9, $0xF7A;
	s5 =	simm.s32 @!p2 $0x0  }
0x1d: {  	s5 =	simm.s32 @p1 $0x1;
	p0 =	seq.s32 s7, s2  }
0x1e: {  	s7 =	smul.u32 @!p0 $0xF7A, s2;
	p2 =	seq.s32 @!p0 s5, $0x0  }
0x1f: {  	s9 =	smul.u32 $0xF7A, s1;
	s8 =	simm.s32 @!p0 $0x1BF5;
	p2 =	por !p2, p0  }
0x20: {  	[sflag:s8] =	ssyncset.s32 @!p0 $0xFFFFF086;
	s6 =	sadd.s32 @!p0 s3, s7;
	s7 =	simm.s32 @!p0 $0x108  }
0x21: {  	s3 =	sadd.s32 s3, s9;
	s6 =	sadd.s32 @!p0 $0x88, s6;
	s7 =	simm.s32 @p2 $0x1082  }
0x22: {  	[simem:s7], [sflag:s8] =	dma.local @!p0 [hbm:s6], $0xF7A  }
0x23: {  	s9 =	sor.u32 $0xD0000000, s2;
	s6 =	simm.s32 $0x108;
	_ =	swait.ge @!p0 [sflag:s8], $0x0  }
0x24: {  	s3 =	sadd.s32 $0x88, s3;
	s6 =	simm.s32 @!p1 $0x1082;
	[sflag:s4] =	ssyncset.s32 $0xFFFFF086  }
0x25: {  	[simem:s6], [sflag:s4] =	dma.local [hbm:s3], $0xF7A  }
0x26: {  	[smem:$0x3F97] =	sst s1;
	(tag) =	ssettag s2;
	_ =	strace s9  }
0x27: {  	s1 =	sld [smem:$0x3FA7]  }
0x28: {  	s2 =	sld [smem:$0x3FA8]  }
0x29: {  	s4 =	sld [smem:$0x3FAA]  }
0x2a: {  	p0 =	seq.s32 s5, $0x0;
	s5 =	sld [smem:$0x3FAB]  }
0x2b: {  	s6 =	sld [smem:$0x3FAC]  }
0x2c: {  	s7 =	sld [smem:$0x3FAD]  }
0x2d: {  	s3 =	simm.s32 $0x108;
	s8 =	sld [smem:$0x3FAE]  }
0x2e: {  	s3 =	simm.s32 @!p0 $0x1082;
	s9 =	sld [smem:$0x3FAF]  }
0x2f: {  	lr =	sadd.s32 s0, s3;
	s0 =	sld [smem:$0x3FA6]  }
0x30: {  	s3 =	sld [smem:$0x3FA9]  }
0x31: {  	[smem:$0x3FB2] =	sst s10  }
0x32: {  	s10 =	sld [smem:$0x3FB0];
	_ =	sdelay $0x3  }
0x33: {  	p0 =	seq.s32 s10, $0x1;
	s10 =	sld [smem:$0x3FB2];
	_ =	sdelay $0x3  }
0x34: {  	[smem:$0x3FB2] =	sst s10  }
0x35: {  	s10 =	sld [smem:$0x3FB1];
	_ =	sdelay $0x3  }
0x36: {  	p1 =	seq.s32 s10, $0x1;
	s10 =	sld [smem:$0x3FB2];
	_ =	sdelay $0x3  }
0x37: {  	[smem:$0x3FB2] =	sst s10  }
0x38: {  	s10 =	sld [smem:$0x3FB3]  }
0x39: {  	_ = 	snop;
	(pc) =	sbr.ind lr, $3  }
0x3a: {  	_ = 	snop  }
0x3b: {  	_ = 	snop  }
0x3c: {  	p2 =	seq.s32 s10, $0x1;
	s10 =	sld [smem:$0x3FB2]  }
0x3d: {  	_ =	shalt  }
0x3e: {  	_ =	shalt  }
0x3f: {  	_ =	shalt  }
0x40: {  	_ =	shalt  }
0x41: {  	_ =	shalt  }
0x42: {  	_ =	shalt  }
0x43: {  	_ =	shalt  }
0x44: {  	_ =	shalt  }
0x45: {  	_ =	shalt  }
0x46: {  	_ =	shalt  }
0x47: {  	_ =	shalt  }
0x48: {  	_ =	shalt  }
0x49: {  	_ =	shalt  }
0x4a: {  	_ =	shalt  }
0x4b: {  	_ =	shalt  }
0x4c: {  	_ =	shalt  }
0x4d: {  	_ =	shalt  }
0x4e: {  	_ =	shalt  }
0x4f: {  	_ =	shalt  }
0x50: {  	_ =	shalt  }
0x51: {  	_ =	shalt  }
0x52: {  	_ =	shalt  }
0x53: {  	_ =	shalt  }
0x54: {  	_ =	shalt  }
0x55: {  	_ =	shalt  }
0x56: {  	_ =	shalt  }
0x57: {  	_ =	shalt  }
0x58: {  	_ =	shalt  }
0x59: {  	_ =	shalt  }
0x5a: {  	_ =	shalt  }
0x5b: {  	_ =	shalt  }
0x5c: {  	_ =	shalt  }
0x5d: {  	_ =	shalt  }
0x5e: {  	_ =	shalt  }
0x5f: {  	_ =	shalt  }
0x60: {  	_ =	shalt  }
0x61: {  	_ =	shalt  }
0x62: {  	_ =	shalt  }
0x63: {  	_ =	shalt  }
0x64: {  	_ =	shalt  }
0x65: {  	_ =	shalt  }
0x66: {  	_ =	shalt  }
0x67: {  	_ =	shalt  }
0x68: {  	_ =	shalt  }
0x69: {  	_ =	shalt  }
0x6a: {  	_ =	shalt  }
0x6b: {  	_ =	shalt  }
0x6c: {  	_ =	shalt  }
0x6d: {  	_ =	shalt  }
0x6e: {  	_ =	shalt  }
0x6f: {  	_ =	shalt  }
0x70: {  	_ =	shalt  }
0x71: {  	_ =	shalt  }
0x72: {  	_ =	shalt  }
0x73: {  	_ =	shalt  }
0x74: {  	_ =	shalt  }
0x75: {  	_ =	shalt  }
0x76: {  	_ =	shalt  }
0x77: {  	_ =	shalt  }
0x78: {  	_ =	shalt  }
0x79: {  	_ =	shalt  }
0x7a: {  	_ =	shalt  }
0x7b: {  	_ =	shalt  }
0x7c: {  	_ =	shalt  }
0x7d: {  	_ =	shalt  }
0x7e: {  	_ =	shalt  }
0x7f: {  	_ =	shalt  }
0x80: {  	_ =	shalt  }
0x81: {  	_ =	shalt  }
0x82: {  	_ =	shalt  }
0x83: {  	_ =	shalt  }
0x84: {  	_ =	shalt  }
0x85: {  	_ =	shalt  }
0x86: {  	_ =	shalt  }
0x87: {  	_ =	shalt  }
.Lfunc_end0:
.L_simem_size_0:
called_computation.3_lowered:
.L_overlay_start_0:
0x88: {  	s2 =	sld [smem:$0x3FD9]  }
0x89: {  	s3 =	sld [smem:$0x3FFE];
	_ =	sdelay $0x1  }
0x8a: {  	s1 =	srdreg.scid  }
0x8b: {  	s0 =	sand.u32 $0x1, s1  }
0x8c: {  	s17 =	sshll.u32 s0, $0xA;
	s2 =	sadd.s32 s3, s2  }
0x8d: {  	s2 =	sadd.s32 s2, s17  }
0x8e: {  	[smem:$0x3FBE] =	sst s2  }
0x8f: {  	_ = 	snop  }
0x90: {  	s2 =	sld [smem:$0x3FD0];
	(tm) =	ssettm $0x1  }
0x91: {  	s18 =	sld [smem:$0x3FFB];
	_ =	sdelay $0x3  }
0x92: {  	_ =	strace s18  }
0x93: {  	s3 =	sld [smem:$0x3FFC];
	_ =	sdelay $0x3  }
0x94: {  	_ =	strace s3  }
0x95: {  	s3 =	sld [smem:$0x3FFD];
	_ =	sdelay $0x3  }
0x96: {  	_ =	strace s3  }
0x97: {  	_ =	strace $0x8FFFFFFF  }
0x98: {  	s19 =	sld [smem:$0x3FDB];
	_ =	sdelay $0x1  }
0x99: {  	s4 =	simm.s32 $_scs_section_size  }
0x9a: {  	s5 =	simm.s32 $_size__tile_overlayer_lowered;
	s6 =	simm.s32 $_tile_overlayer_lowered  }
0x9b: {  	s22 =	simm.s32 $0x1BFF;
	s21 =	sshll.u32 s6, $0x1;
	s3 =	sadd.s32 s4, s19  }
0x9c: {  	s7 =	simm.s32 $0x0;
	s20 =	sshll.u32 s5, $0x1;
	s5 =	sadd.s32 s21, s3  }
0x9d: {  	[timem:s7], [sflag:s22] =	dma.local [hbm:s5], s20  }
0x9e: {  	_ =	swait.ge [sflag:s22], s20  }
0x9f: {  	s4 =	ssub.s32 $0x0, s20;
	[sflag:s22] =	ssyncset.done $0x0  }
0xa0: {  	[sflag:s22] =	ssyncadd.s32 s4;
	_ =	sdelay $0x1  }
0xa1: {  	s23 =	simm.s32 $0x1B8B  }
0xa2: {  	_ =	swait.ge [sflag:s23], $0x1  }
0xa3: {  	[sflag:s23] =	ssyncset.done $0x0  }
0xa4: {  	s25 =	simm.s32 $0x1B8E;
	s24 =	sld [smem:$0x3FFE];
	[sflag:s23] =	ssyncadd.s32 $0xFFFFFFFF  }
0xa5: {  	s26 =	simm.s32 $execute0_lowered;
	[smem:$0x3FD2] =	sst s25  }
0xa6: {  	s5 =	sshll.u32 s26, $0x1;
	_ =	strace $0x8000004F;
	[dreg:$0x1] =	wrdreg $0xFFFFFFFF  }
0xa7: {  	s28 =	simm.s32 $_size_execute0_lowered;
	s3 =	sadd.s32 s3, s5;
	[dreg:$0x0] =	wrdreg $0x0  }
0xa8: {  	s5 =	sshll.u32 s28, $0x1;
	[dreg:$0x2] =	wrdreg s3  }
0xa9: {  	[dreg:$0x3] =	wrdreg s5  }
0xaa: {  	[dreg:$0x4] =	wrdreg $0xC0  }
0xab: {  	_ =	task [dreg:s7], $0x5FFFF  }
0xac: {  	[dreg:$0x1] =	wrdreg $0xFFFFFFFF  }
0xad: {  	[dreg:$0x0] =	wrdreg $0x60  }
0xae: {  	[dreg:$0x2] =	wrdreg s2  }
0xaf: {  	[dreg:$0x3] =	wrdreg s24  }
0xb0: {  	[dreg:$0x4] =	wrdreg $0xB7800  }
0xb1: {  	[dreg:$0x5] =	wrdreg $0x9  }
0xb2: {  	_ =	task.clear_ibuf [dreg:s7], $0x6FFFF;
	_ =	strace $0x9000004F  }
0xb3: {  	s29 =	simm.s32 $0x9;
	_ =	strace $0x80000051  }
0xb4: {  	_ =	swait.ge [sflag:s29], $0x1  }
0xb5: {  	[sflag:s29] =	ssyncadd.s32 $0xFFFFFFFF  }
0xb6: {  	_ =	strace $0x90000051  }
0xb7: {  	_ =	sfence  }
0xb8: {  	s30 =	sld [smem:$0x0];
	_ =	sdelay $0x2  }
0xb9: {  	s31 =	sshll.u32 s1, $0xD;
	s1 =	sshrl.u32 s1, $0x2  }
0xba: {  	s3 =	sand.u32 $0x4000, s31;
	s1 =	sadd.s32 s1, s30  }
0xbb: {  	s0 =	sor.u32 s3, s0;
	s1 =	sshll.u32 s1, $0x11  }
0xbc: {  	s0 =	sor.u32 s1, s0  }
0xbd: {  	s0 =	sadd.s32 $0x8F2B, s0  }
0xbe: {  	[sflag:s0] =	ssyncadd.remote.s32 $0x1  }
0xbf: {  	_ =	sfence.sel $0xFFFF  }
0xc0: {  	[dreg:$0x0] =	wrdreg $0xFFFFFFFF;
	(pc) =	sbr.abs _section_cstart, $3  }
0xc1: {  	[dreg:$0x1] =	wrdreg $0xFFFFFFFF  }
0xc2: {  	_ =	task.clear_ibuf [dreg:s7], $0x2FFFF;
	_ =	strace $0x9FFFFFFF  }
0xc3: {  	(tm) =	ssettm $0x7FFFFFFF  }
tec
execute0_lowered:
.L_overlay_start_1:
0x0: {  	(tag) =	ssettag $0x1  }
0x1: {  	s0 =	srdreg.scid;
	s1 =	rddreg [dreg:$0x0]  }
0x2: {  	s9 =	stileid.u32;
	s5 =	rddreg [dreg:$0x1]  }
0x3: {  	s3 =	rddreg [dreg:$0x2];
	s4 =	simm.s32 $0x0;
	s17 =	simm.s32 $0x5  }
0x4: {  	s18 =	simm.s32 $0x2780;
	s19 =	simm.s32 $0x6780;
	s20 =	simm.s32 $0x50  }
0x5: {  	s21 =	simm.s32 $0x8F80;
	s22 =	simm.s32 $0x1;
	s23 =	simm.s32 $0x2  }
0x6: {  	s24 =	simm.s32 $0x3;
	s25 =	simm.s32 $0x4;
	s28 =	simm.s32 $0x26C0  }
0x7: {  	s29 =	simm.s32 $0x6580;
	s30 =	simm.s32 $0x0;
	s8 =	smul.u32 $0x14000, s9  }
0x8: {  	s0 =	sand.u32 $0x1, s0;
	s2 =	sshll.u32 s9, $0x1;
	s26 =	smul.u32 $0x50000, s9  }
0x9: {  	[smem:$0x7FF] =	sst s4;
	s2 =	sor.u32 s0, s2;
	s7 =	smul.u32 $0x140000, s0  }
0xa: {  	_ =	strace $0x80000050;
	s0 =	ssub.s32 $0x2, s0;
	s6 =	smul.u32 $0x4E2, s2  }
0xb: {  	s2 =	sshll.u32 s2, $0xB;
	s31 =	sshrl.u32 s0, $0x1;
	s7 =	sadd.s32 s8, s7  }
0xc: {  	s2 =	sadd.s32 s2, s5;
	s0 =	ssub.s32 s0, s31;
	s8 =	sshrl.u32 s26, $0x2  }
0xd: {  	s6 =	sadd.s32 s6, s5;
	s7 =	sshrl.u32 s7, $0x3;
	s8 =	sadd.s32 s8, s3  }
0xe: {  	s9 =	smax.u32 s0, $0x1;
	s7 =	sadd.s32 s7, s5;
	s5 =	sadd.s32 $0x4200, s6  }
0xf: {  	s6 =	sadd.s32 $0x17E00, s2;
	s10 =	sadd.s32 $0x2800, s8;
	s11 =	sadd.s32 $0x5000, s8  }
0x10: {  	s12 =	sadd.s32 $0x7800, s8;
	s13 =	sadd.s32 $0xA000, s8;
	s14 =	sadd.s32 $0xC800, s8  }
0x11: {  	v0 =	vimm.f32 $0.0e+00;
	s15 =	sadd.s32 $0xF000, s8;
	s16 =	sadd.s32 $0x11800, s8;
	s7 =	sadd.s32 $0x27E00, s7  }
.LBB2_1:
0x12: {  	[tilespmem:s4], [sflag:$0x5] =	stream.linear.gather [hbm4b:s5+s4], $0x2710, $0x38;
	[tilespmem:$0x1F780] =	vst v63  }
0x13: {  	_ =	swait.ge [sflag:s17], $0x2710  }
0x14: {  	[sflag:s17] =	ssyncset.done $0x0  }
0x15: {  	[sflag:s17] =	ssyncadd.s32 $0xFFFFD8F0  }
0x16: {  	[tilespmem:s18], [sflag:$0x5] =	stream.linear.gather [hbm4b:s6+s4], $0x3E80, $0x38;
	[tilespmem:$0x1F780] =	vst v63  }
0x17: {  	s0 =	sand.u32 $0xFE00, s4;
	s31 =	sand.u32 $0x70, s4;
	_ =	swait.ge [sflag:s17], $0x3E80  }
0x18: {  	s2 =	simm.s32 $0x40;
	s0 =	sshrl.u32 s0, $0x2;
	[sflag:s17] =	ssyncset.done $0x0  }
0x19: {  	s0 =	sor.u32 s31, s0;
	s31 =	simm.s32 $0x0;
	[sflag:s17] =	ssyncadd.s32 $0xFFFFC180  }
.LBB2_2:
0x1a: {  	p0 =	sne.s32 s2, $0x9FC0  }
0x1b: {  	[tilespmem:s0+$0x6780] =	vst v0;
	s31 =	sadd.s32 $0x10, s31;
	s0 =	smov.u32 s2;
	s2 =	sadd.s32 $0x40, s2  }
.Ltmp0:
0x1c: {  	(pc) =	sbr.rel @p0 .LBB2_2-.Ltmp0, $4  }
0x1d: {  	_ = 	snop  }
0x1e: {  	s0 =	sand.u32 $0xFE00, s0  }
0x1f: {  	s26 =	sand.u32 $0x70, s31;
	s0 =	sshrl.u32 s0, $0x2  }
0x20: {  	s0 =	sor.u32 s26, s0  }
0x21: {  	[tilespmem:s0+$0x6780] =	vst v0  }
0x22: {  	[spmem:s8] =	stream.linear.scatter [tilespmem:s19], [sflag:$0x5], $0x2800, $0x38;
	[tilespmem:$0x1F780] =	vst v63  }
0x23: {  	_ =	swait.ge [sflag:s17], $0x2800  }
0x24: {  	[sflag:s17] =	ssyncset.done $0x0  }
0x25: {  	[sflag:s17] =	ssyncadd.s32 $0xFFFFD800  }
0x26: {  	[spmem:s10] =	stream.linear.scatter [tilespmem:s19], [sflag:$0x5], $0x2800, $0x38;
	[tilespmem:$0x1F780] =	vst v63  }
0x27: {  	_ =	swait.ge [sflag:s17], $0x2800  }
0x28: {  	[sflag:s17] =	ssyncset.done $0x0  }
0x29: {  	[sflag:s17] =	ssyncadd.s32 $0xFFFFD800  }
0x2a: {  	[spmem:s11] =	stream.linear.scatter [tilespmem:s19], [sflag:$0x5], $0x2800, $0x38;
	[tilespmem:$0x1F780] =	vst v63  }
0x2b: {  	_ =	swait.ge [sflag:s17], $0x2800  }
0x2c: {  	[sflag:s17] =	ssyncset.done $0x0  }
0x2d: {  	[sflag:s17] =	ssyncadd.s32 $0xFFFFD800  }
0x2e: {  	[spmem:s12] =	stream.linear.scatter [tilespmem:s19], [sflag:$0x5], $0x2800, $0x38;
	[tilespmem:$0x1F780] =	vst v63  }
0x2f: {  	_ =	swait.ge [sflag:s17], $0x2800  }
0x30: {  	[sflag:s17] =	ssyncset.done $0x0  }
0x31: {  	[sflag:s17] =	ssyncadd.s32 $0xFFFFD800  }
0x32: {  	[spmem:s13] =	stream.linear.scatter [tilespmem:s19], [sflag:$0x5], $0x2800, $0x38;
	[tilespmem:$0x1F780] =	vst v63  }
0x33: {  	_ =	swait.ge [sflag:s17], $0x2800  }
0x34: {  	[sflag:s17] =	ssyncset.done $0x0  }
0x35: {  	[sflag:s17] =	ssyncadd.s32 $0xFFFFD800  }
0x36: {  	[spmem:s14] =	stream.linear.scatter [tilespmem:s19], [sflag:$0x5], $0x2800, $0x38;
	[tilespmem:$0x1F780] =	vst v63  }
0x37: {  	_ =	swait.ge [sflag:s17], $0x2800  }
0x38: {  	[sflag:s17] =	ssyncset.done $0x0  }
0x39: {  	[sflag:s17] =	ssyncadd.s32 $0xFFFFD800  }
0x3a: {  	[spmem:s15] =	stream.linear.scatter [tilespmem:s19], [sflag:$0x5], $0x2800, $0x38;
	[tilespmem:$0x1F780] =	vst v63  }
0x3b: {  	_ =	swait.ge [sflag:s17], $0x2800  }
0x3c: {  	[sflag:s17] =	ssyncset.done $0x0  }
0x3d: {  	[sflag:s17] =	ssyncadd.s32 $0xFFFFD800  }
0x3e: {  	[spmem:s16] =	stream.linear.scatter [tilespmem:s19], [sflag:$0x5], $0x2800, $0x38;
	[tilespmem:$0x1F780] =	vst v63  }
0x3f: {  	_ =	swait.ge [sflag:s17], $0x2800  }
0x40: {  	[sflag:s17] =	ssyncset.done $0x0  }
0x41: {  	[sflag:s17] =	ssyncadd.s32 $0xFFFFD800  }
0x42: {  	[bflag:$0x0] =	sbarrier.arrive $0xFFFF  }
0x43: {  	[tilespmem:s19], [sflag:$0x1] =	stream.indirect.gather [hbm4b:s1+s20], $0x80, s4, s20, $0xb8;
	[tilespmem:$0x1F780] =	vst v63  }
0x44: {  	_ = 	snop  }
0x45: {  	[tilespmem:s21], [sflag:$0x2] =	stream.indirect.gather [hbm4b:s1+s20], $0x80, s20, s20, $0xb8;
	[tilespmem:$0x1F780] =	vst v63  }
0x46: {  	_ =	swait.ge [sflag:s22], $0x2800  }
0x47: {  	[sflag:s22] =	ssyncset.done $0x0  }
0x48: {  	[sflag:s22] =	ssyncadd.s32 $0xFFFFD800  }
0x49: {  	[spmem:s3] =	stream.indirect.scatter.add.f32 [tilespmem:s19], [sflag:$0x3], $0x80, s18, s20, $0xb8;
	[tilespmem:$0x1F780] =	vst v63  }
0x4a: {  	_ =	swait.ge [sflag:s23], $0x2800  }
0x4b: {  	[sflag:s23] =	ssyncset.done $0x0  }
0x4c: {  	s26 =	simm.s32 $0x2800;
	[sflag:s23] =	ssyncadd.s32 $0xFFFFD800  }
0x4d: {  	[spmem:s3] =	stream.indirect.scatter.add.f32 [tilespmem:s21], [sflag:$0x4], $0x80, s26, s20, $0xb8;
	[tilespmem:$0x1F780] =	vst v63  }
0x4e: {  	_ =	swait.ge [sflag:s24], $0x2800  }
0x4f: {  	[sflag:s24] =	ssyncset.done $0x0  }
0x50: {  	s2 =	simm.s32 $0xA0;
	[sflag:s24] =	ssyncadd.s32 $0xFFFFD800  }
0x51: {  	[tilespmem:s19], [sflag:$0x1] =	stream.indirect.gather [hbm4b:s1+s20], $0x80, s2, s20, $0xb8;
	[tilespmem:$0x1F780] =	vst v63  }
0x52: {  	_ =	swait.ge [sflag:s22], $0x2800  }
0x53: {  	[sflag:s22] =	ssyncset.done $0x0  }
0x54: {  	s26 =	simm.s32 $0x2880;
	[sflag:s22] =	ssyncadd.s32 $0xFFFFD800  }
0x55: {  	[spmem:s3] =	stream.indirect.scatter.add.f32 [tilespmem:s19], [sflag:$0x3], $0x80, s26, s20, $0xb8;
	[tilespmem:$0x1F780] =	vst v63  }
0x56: {  	_ =	swait.ge [sflag:s25], $0x2800  }
0x57: {  	s31 =	simm.s32 $0xFFFF1000;
	[sflag:s25] =	ssyncset.done $0x0  }
0x58: {  	s0 =	simm.s32 $0xF0;
	s2 =	simm.s32 $0x140;
	[sflag:s25] =	ssyncadd.s32 $0xFFFFD800  }
.LBB2_4:
0x59: {  	[tilespmem:s21], [sflag:$0x2] =	stream.indirect.gather [hbm4b:s1+s20], $0x80, s0, s20, $0xb8;
	[tilespmem:$0x1F780] =	vst v63  }
0x5a: {  	s0 =	smov.u32 s31  }
0x5b: {  	p0 =	sne.s32 s31, $0xFFFFFC00;
	s31 =	sadd.s32 $0x400, s31;
	_ =	swait.ge [sflag:s23], $0x2800  }
0x5c: {  	s0 =	sshra.s32 s0, $0x2;
	[sflag:s23] =	ssyncset.done $0x0  }
0x5d: {  	s26 =	sadd.s32 $0x6500, s0;
	[sflag:s23] =	ssyncadd.s32 $0xFFFFD800  }
0x5e: {  	[spmem:s3] =	stream.indirect.scatter.add.f32 [tilespmem:s21], [sflag:$0x4], $0x80, s26, s20, $0xb8;
	[tilespmem:$0x1F780] =	vst v63  }
0x5f: {  	_ =	swait.ge [sflag:s24], $0x2800  }
0x60: {  	[sflag:s24] =	ssyncset.done $0x0  }
0x61: {  	[sflag:s24] =	ssyncadd.s32 $0xFFFFD800  }
0x62: {  	[tilespmem:s19], [sflag:$0x1] =	stream.indirect.gather [hbm4b:s1+s20], $0x80, s2, s20, $0xb8;
	[tilespmem:$0x1F780] =	vst v63  }
0x63: {  	_ =	swait.ge [sflag:s22], $0x2800  }
0x64: {  	[sflag:s22] =	ssyncset.done $0x0  }
.Ltmp1:
0x65: {  	s0 =	sadd.s32 $0x6580, s0;
	[sflag:s22] =	ssyncadd.s32 $0xFFFFD800;
	(pc) =	sbr.rel @p0 .LBB2_4-.Ltmp1, $4  }
0x66: {  	[spmem:s3] =	stream.indirect.scatter.add.f32 [tilespmem:s19], [sflag:$0x3], $0x80, s0, s20, $0xb8;
	[tilespmem:$0x1F780] =	vst v63  }
0x67: {  	_ =	swait.ge [sflag:s25], $0x2800  }
0x68: {  	[sflag:s25] =	ssyncset.done $0x0  }
0x69: {  	s0 =	sadd.s32 $0x50, s2;
	s2 =	sadd.s32 $0xA0, s2;
	[sflag:s25] =	ssyncadd.s32 $0xFFFFD800  }
0x6a: {  	[tilespmem:s21], [sflag:$0x2] =	stream.indirect.gather [hbm4b:s1+s20], $0x80, s0, s20, $0xb8;
	[tilespmem:$0x1F780] =	vst v63  }
0x6b: {  	_ =	swait.ge [sflag:s23], $0x2800  }
0x6c: {  	[sflag:s23] =	ssyncset.done $0x0  }
0x6d: {  	s26 =	simm.s32 $0x6500;
	[sflag:s23] =	ssyncadd.s32 $0xFFFFD800  }
0x6e: {  	[spmem:s3] =	stream.indirect.scatter.add.f32 [tilespmem:s21], [sflag:$0x4], $0x80, s26, s20, $0xb8;
	[tilespmem:$0x1F780] =	vst v63  }
0x6f: {  	_ =	swait.ge [sflag:s24], $0x2800  }
0x70: {  	[sflag:s24] =	ssyncset.done $0x0  }
0x71: {  	[sflag:s24] =	ssyncadd.s32 $0xFFFFD800  }
0x72: {  	[tilespmem:s19], [sflag:$0x1] =	stream.indirect.gather [hbm4b:s1+s20], $0x80, s28, s20, $0xb8;
	[tilespmem:$0x1F780] =	vst v63  }
0x73: {  	_ =	swait.ge [sflag:s22], $0x2800  }
0x74: {  	[sflag:s22] =	ssyncset.done $0x0  }
0x75: {  	[sflag:s22] =	ssyncadd.s32 $0xFFFFD800  }
0x76: {  	[spmem:s3] =	stream.indirect.scatter.add.f32 [tilespmem:s19], [sflag:$0x3], $0x80, s29, s20, $0xb8;
	[tilespmem:$0x1F780] =	vst v63  }
0x77: {  	_ =	swait.ge [sflag:s25], $0x2800  }
0x78: {  	[sflag:s25] =	ssyncset.done $0x0  }
0x79: {  	[sflag:s25] =	ssyncadd.s32 $0xFFFFD800  }
0x7a: {  	s31 =	stileid.u32;
	_ =	swait.ge [sflag:s24], $0x2800  }
0x7b: {  	s2 =	sshrl.u32 s8, $0x3;
	s30 =	sadd.s32 $0x1, s30;
	[sflag:s24] =	ssyncset.done $0x0  }
0x7c: {  	s0 =	sshll.u32 s31, $0x6;
	p0 =	sne.s32 s30, s9;
	[sflag:s24] =	ssyncadd.s32 $0xFFFFD800  }
.Ltmp2:
0x7d: {  	s0 =	sor.u32 $0x1C05, s0;
	[bflag:$0x0] =	sbarrier.arrive $0xFFFF;
	(pc) =	sbr.rel @p0 .LBB2_1-.Ltmp2, $4  }
0x7e: {  	[hbm:s7], [sflag:s0] =	dma.local [spmem:s2], $0x2800  }
0x7f: {  	_ =	swait.ge [sflag:s17], $0x2800  }
0x80: {  	[sflag:s17] =	ssyncset.done $0x0  }
0x81: {  	[sflag:s17] =	ssyncadd.s32 $0xFFFFD800  }
0x82: {  	_ =	sfence.sel $0x180000  }
0x83: {  	[bflag:$0x0] =	sbarrier.arrive $0xFFFF  }
0x84: {  	_ =	strace $0x90000050  }
0x85: {  	s0 =	stileid.u32;
	[bflag:$0x2] =	sbarrier.arrive $0xFFFF  }
0x86: {  	p0 =	sne.s32 s0, $0x0;
	s0 =	rddreg [dreg:$0x3]  }
0x87: {  	s0 =	sadd.s32 @!p0 $0x100000, s0  }
0x88: {  	[sflag:s0] =	ssyncadd.tile.s32 @!p0 $0x1;
	_ =	shalt  }
.Lfunc_end2:
_tile_overlayer_lowered:
.L_overlay_start_2:
0x89: {  	(tag) =	ssettag $0x2  }
0x8a: {  	s0 =	rddreg [dreg:$0x0];
	s2 =	stileid.u32  }
0x8b: {  	s1 =	rddreg [dreg:$0x1];
	p0 =	sne.s32 s2, $0x0  }
0x8c: {  	s3 =	rddreg [dreg:$0x2];
	[bflag:$0x3] =	sbarrier.arrive $0xFFFF;
	s2 =	simm.s32 @!p0 $0x1C05  }
0x8d: {  	[timem:s3], [sflag:s2] =	dma.local @!p0 [hbm:s0], s1  }
0x8e: {  	s0 =	simm.s32 @!p0 $0x5  }
0x8f: {  	_ =	swait.ge @!p0 [sflag:s0], s1  }
0x90: {  	s1 =	ssub.s32 @!p0 $0x0, s1;
	[sflag:s0] =	ssyncset.done @!p0 $0x0  }
0x91: {  	[sflag:s0] =	ssyncadd.s32 @!p0 s1  }
0x92: {  	[bflag:$0x3] =	sbarrier.arrive $0xFFFF  }
0x93: {  	_ =	shalt  }

</sc_bundles>
